<compile_context>
chip_gen: v7x
topology: tpu7x:2x2x1
jax: 0.10.2.dev20260603
libtpu: 0.0.44.dev20260713+nightly
codegen_flags: <defaults>
</compile_context>

<pallas_src>
import functools

import jax
import jax.numpy as jnp
from jax.experimental import pallas as pl
from jax.experimental.pallas import tpu as pltpu
from jax.experimental.pallas import tpu_sc as plsc

_BR = 8
_LANES = 16


def _sc_add(xf, pe):
    R, D = xf.shape
    S = pe.shape[0]
    mesh = plsc.VectorSubcoreMesh(core_axis_name="c", subcore_axis_name="s")

    @functools.partial(
        pl.kernel,
        out_type=jax.ShapeDtypeStruct((R, D), xf.dtype),
        mesh=mesh,
    )
    def k(x_hbm, pe_hbm, o_hbm):
        def body(x_vmem, pe_vmem, o_vmem):
            @pl.loop(0, _BR)
            def _row(r):
                @pl.loop(0, D, step=_LANES)
                def _col(c):
                    slc = (pl.ds(r, 1), pl.ds(c, _LANES))
                    o_vmem.at[*slc][...] = (
                        x_vmem.at[*slc][...] + pe_vmem.at[*slc][...]
                    )

        pltpu.emit_pipeline(
            body,
            grid=(R // _BR, 1),
            in_specs=[
                pl.BlockSpec((_BR, D), lambda i, j: (i, j)),
                pl.BlockSpec((_BR, D), lambda i, j: (i % (S // _BR), j)),
            ],
            out_specs=[pl.BlockSpec((_BR, D), lambda i, j: (i, j))],
            core_axis_name=("c", "s"),
            dimension_semantics=(pltpu.PARALLEL, pltpu.PARALLEL),
        )(x_hbm, pe_hbm, o_hbm)

    return k(xf, pe)


_BS = 2048
_BD = 1024


def _tc_body(x_ref, pe_ref, o_ref):
    o_ref[...] = x_ref[...] + pe_ref[...]


def _tc_add(x, pe):
    B, S, D = x.shape
    grid = (S // _BS, D // _BD, B)
    return pl.pallas_call(
        _tc_body,
        grid=grid,
        in_specs=[
            pl.BlockSpec((1, _BS, _BD), lambda i, d, b: (b, i, d)),
            pl.BlockSpec((_BS, _BD), lambda i, d, b: (i, d)),
        ],
        out_specs=pl.BlockSpec((1, _BS, _BD), lambda i, d, b: (b, i, d)),
        out_shape=jax.ShapeDtypeStruct((B, S, D), x.dtype),
        compiler_params=pltpu.CompilerParams(
            dimension_semantics=("parallel", "parallel", "parallel"),
        ),
    )(x, pe)


_N_TC_BATCHES = 3


def kernel(x, pe_weight):
    B, S, D = x.shape
    pe = pe_weight[:S]
    tc_out = _tc_add(x[:_N_TC_BATCHES], pe)
    sc_out = _sc_add(x[_N_TC_BATCHES:].reshape((B - _N_TC_BATCHES) * S, D), pe)
    return jnp.concatenate(
        [tc_out, sc_out.reshape(B - _N_TC_BATCHES, S, D)], axis=0
    )

# --- scband reference (transcript-rebuilt; emitter-appended) ---
"""Pipeline reference for scband-positional-embedding-86741159510397 (READ-ONLY COPY).

The authoritative reference and input builder live on the scoring server;
editing this copy changes nothing except your own understanding.
"""

import jax, jax.numpy as jnp
import numpy as np

MAX_LEN = 8192
D_MODEL = 1024
B, S = 4, 4096

def setup_inputs(seed: int = 0) -> dict:
    key = jax.random.key(seed)
    k1, k2 = jax.random.split(key)
    x = jax.random.normal(k1, (B, S, D_MODEL), dtype=jnp.float32)
    pe_weight = jax.random.normal(k2, (MAX_LEN, D_MODEL), dtype=jnp.float32)
    return {"x": x, "pe_weight": pe_weight}

def reference(x, pe_weight):
    # x is 3D: [B, S, D]; lookup_table = pe.weight[:S, :]
    S_ = x.shape[1]
    lookup_table = pe_weight[:S_, :]
    # unsqueeze(0).repeat(B,1,1) == broadcast add over batch
    out = x + jnp.broadcast_to(lookup_table[None, :, :], x.shape)
    # dropout with drop_ratio=0.0 is identity
    return out

if __name__ == "__main__":
    import jax
    _d = setup_inputs()
    print(jax.jit(kernel)(*tuple(_d.values())))

</pallas_src>

<mosaic_0001>
#map = affine_map<(d0, d1) -> (0, 0)>
module attributes {stable_mosaic.version = 14 : i64} {
  func.func @k(%arg0: i32, %arg1: i32, %arg2: memref<4096x1024xf32, #tpu.memory_space<hbm>>, %arg3: memref<4096x1024xf32, #tpu.memory_space<hbm>>, %arg4: memref<4096x1024xf32, #tpu.memory_space<hbm>>) attributes {dimension_semantics = [#tpu.dimension_semantics<core_parallel>, #tpu.dimension_semantics<subcore_parallel>], iteration_bounds = array<i64: 2, 16>, scalar_prefetch = 0 : i64, scratch_operands = 0 : i64, tpu.core_type = #tpu.core_type<sc_vector_subcore>, window_params = [{transform_indices = #map}, {transform_indices = #map}, {transform_indices = #map}]} {
    %mul3A = arith.constant 1 : i32
    %mul3A_0 = arith.muli %arg1, %mul3A : i32
    %add3A = arith.constant 0 : i32
    %add3A_1 = arith.addi %add3A, %mul3A_0 : i32
    %mul3A_2 = arith.constant 16 : i32
    %mul3A_3 = arith.muli %arg0, %mul3A_2 : i32
    %add3A_4 = arith.addi %add3A_1, %mul3A_3 : i32
    %mul3A_5 = arith.constant 16 : i32
    %mul3A_6 = arith.muli %add3A_4, %mul3A_5 : i32
    "tpu.region"() ({
      %run_scoped3A = memref.alloca() : memref<2x8x1024xf32, #tpu.memory_space<vmem>>
      %run_scoped3A_7 = tpu.sem_alloc : memref<2x!tpu.dma_semaphore, #tpu.memory_space<semaphore_mem>>
      %run_scoped3A_8 = memref.alloca() : memref<2x8x1024xf32, #tpu.memory_space<vmem>>
      %run_scoped3A_9 = tpu.sem_alloc : memref<2x!tpu.dma_semaphore, #tpu.memory_space<semaphore_mem>>
      %run_scoped3A_10 = memref.alloca() : memref<2x8x1024xf32, #tpu.memory_space<vmem>>
      %run_scoped3A_11 = tpu.sem_alloc : memref<2x!tpu.dma_semaphore, #tpu.memory_space<semaphore_mem>>
      %add3A_12 = arith.constant 0 : i32
      %add3A_13 = arith.addi %add3A_12, %mul3A_6 : i32
      %select_n3A = arith.constant true
      %select_n3A_14 = arith.constant 0 : i32
      %select_n3A_15 = arith.constant -1 : i32
      %select_n3A_16 = arith.select %select_n3A, %select_n3A_15, %select_n3A_14 : i32
      %eq3A = arith.constant -1 : i32
      %eq3A_17 = arith.cmpi eq, %select_n3A_16, %eq3A : i32
      %select_n3A_18 = arith.constant 0 : i32
      %select_n3A_19 = arith.select %eq3A_17, %select_n3A_18, %select_n3A_16 : i32
      %select_n3A_20 = arith.constant 0 : i32
      %select_n3A_21 = arith.constant -1 : i32
      %select_n3A_22 = arith.select %eq3A_17, %select_n3A_21, %select_n3A_20 : i32
      %eq3A_23 = arith.constant -1 : i32
      %eq3A_24 = arith.cmpi eq, %select_n3A_22, %eq3A_23 : i32
      %select_n3A_25 = arith.constant 15 : i32
      %select_n3A_26 = arith.select %eq3A_24, %select_n3A_25, %select_n3A_22 : i32
      %add3A_27 = arith.addi %select_n3A_26, %mul3A_6 : i32
      %select_n3A_28 = arith.constant true
      %select_n3A_29 = arith.constant 0 : i32
      %select_n3A_30 = arith.constant 1 : i32
      %select_n3A_31 = arith.select %select_n3A_28, %select_n3A_30, %select_n3A_29 : i32
      %eq3A_32 = arith.constant 1 : i32
      %eq3A_33 = arith.cmpi eq, %select_n3A_31, %eq3A_32 : i32
      %select_n3A_34 = arith.constant 0 : i32
      %select_n3A_35 = arith.select %eq3A_33, %select_n3A_34, %select_n3A_31 : i32
      %select_n3A_36 = arith.constant 0 : i32
      %select_n3A_37 = arith.constant 1 : i32
      %select_n3A_38 = arith.select %eq3A_33, %select_n3A_37, %select_n3A_36 : i32
      %eq3A_39 = arith.constant 16 : i32
      %eq3A_40 = arith.cmpi eq, %select_n3A_38, %eq3A_39 : i32
      %select_n3A_41 = arith.constant 0 : i32
      %select_n3A_42 = arith.select %eq3A_40, %select_n3A_41, %select_n3A_38 : i32
      %add3A_43 = arith.addi %select_n3A_42, %mul3A_6 : i32
      %select_n3A_44 = arith.constant true
      %select_n3A_45 = arith.constant 0 : i32
      %select_n3A_46 = arith.constant 1 : i32
      %select_n3A_47 = arith.select %select_n3A_44, %select_n3A_46, %select_n3A_45 : i32
      %eq3A_48 = arith.constant 1 : i32
      %eq3A_49 = arith.cmpi eq, %select_n3A_47, %eq3A_48 : i32
      %select_n3A_50 = arith.constant 0 : i32
      %select_n3A_51 = arith.select %eq3A_49, %select_n3A_50, %select_n3A_47 : i32
      %add3A_52 = arith.constant 1 : i32
      %add3A_53 = arith.addi %select_n3A_42, %add3A_52 : i32
      %select_n3A_54 = arith.select %eq3A_49, %add3A_53, %select_n3A_42 : i32
      %eq3A_55 = arith.constant 16 : i32
      %eq3A_56 = arith.cmpi eq, %select_n3A_54, %eq3A_55 : i32
      %select_n3A_57 = arith.constant 0 : i32
      %select_n3A_58 = arith.select %eq3A_56, %select_n3A_57, %select_n3A_54 : i32
      %add3A_59 = arith.addi %select_n3A_58, %mul3A_6 : i32
      "tpu.trace_start"() <{level = 10 : i32, message = "ep_initialize_0"}> : () -> ()
      %rem3A = arith.constant 0 : i32
      %rem3A_60 = arith.constant 2 : i32
      %rem3A_61 = arith.remui %rem3A, %rem3A_60 : i32
      %mul3A_62 = arith.constant 8 : i32
      %mul3A_63 = arith.muli %mul3A_62, %add3A_13 : i32
      %dma_start3A = arith.constant 0 : i32
      %dma_start3A_64 = arith.constant 0 : i32
      %dma_start3A_65 = tpu.memref_slice %run_scoped3A[%rem3A_61, %dma_start3A, %dma_start3A_64] : memref<2x8x1024xf32, #tpu.memory_space<vmem>> -> memref<1x8x1024xf32, #tpu.memory_space<vmem>>
      %dma_start3A_66 = tpu.memref_squeeze %dma_start3A_65 : memref<1x8x1024xf32, #tpu.memory_space<vmem>> -> memref<8x1024xf32, #tpu.memory_space<vmem>>
      %dma_start3A_67 = arith.constant 0 : i32
      %dma_start3A_68 = tpu.memref_slice %arg2[%mul3A_63, %dma_start3A_67] : memref<4096x1024xf32, #tpu.memory_space<hbm>> -> memref<8x1024xf32, #tpu.memory_space<hbm>>
      %dma_start3A_69 = tpu.memref_slice %run_scoped3A_7[%rem3A_61] : memref<2x!tpu.dma_semaphore, #tpu.memory_space<semaphore_mem>> -> memref<1x!tpu.dma_semaphore, #tpu.memory_space<semaphore_mem>>
      %dma_start3A_70 = tpu.memref_squeeze %dma_start3A_69 : memref<1x!tpu.dma_semaphore, #tpu.memory_space<semaphore_mem>> -> memref<!tpu.dma_semaphore, #tpu.memory_space<semaphore_mem>>
      %dma_start3A_71 = arith.constant 0 : i32
      %dma_start3A_72 = arith.constant 0 : i32
      %dma_start3A_73 = tpu.memref_slice %run_scoped3A[%rem3A_61, %dma_start3A_71, %dma_start3A_72] : memref<2x8x1024xf32, #tpu.memory_space<vmem>> -> memref<1x8x1024xf32, #tpu.memory_space<vmem>>
      %dma_start3A_74 = tpu.memref_squeeze %dma_start3A_73 : memref<1x8x1024xf32, #tpu.memory_space<vmem>> -> memref<8x1024xf32, #tpu.memory_space<vmem>>
      %dma_start3A_75 = arith.constant 0 : i32
      %dma_start3A_76 = tpu.memref_slice %arg2[%mul3A_63, %dma_start3A_75] : memref<4096x1024xf32, #tpu.memory_space<hbm>> -> memref<8x1024xf32, #tpu.memory_space<hbm>>
      tpu.enqueue_dma source(%dma_start3A_76 : memref<8x1024xf32, #tpu.memory_space<hbm>>) target(%dma_start3A_74 : memref<8x1024xf32, #tpu.memory_space<vmem>>) target_semaphore(%dma_start3A_70 : memref<!tpu.dma_semaphore, #tpu.memory_space<semaphore_mem>>)
      %add3A_77 = arith.constant 0 : i32
      %add3A_78 = arith.constant 1 : i32
      %add3A_79 = arith.addi %add3A_77, %add3A_78 : i32
      %select_n3A_80 = arith.constant true
      %select_n3A_81 = arith.constant 0 : i32
      %select_n3A_82 = arith.select %select_n3A_80, %add3A_79, %select_n3A_81 : i32
      %rem3A_83 = arith.constant 0 : i32
      %rem3A_84 = arith.constant 2 : i32
      %rem3A_85 = arith.remui %rem3A_83, %rem3A_84 : i32
      %jit3A = arith.constant 512 : i32
      %eq3A_86 = arith.constant 0 : i32
      %eq3A_87 = arith.cmpi eq, %jit3A, %eq3A_86 : i32
      %jit3A_88 = arith.constant 1 : i32
      %select_n3A_89 = arith.select %eq3A_87, %jit3A_88, %jit3A : i32
      %rem3A_90 = arith.remsi %add3A_13, %select_n3A_89 : i32
      %ne3A = arith.constant 0 : i32
      %ne3A_91 = arith.cmpi ne, %rem3A_90, %ne3A : i32
      %lt3A = arith.constant 0 : i32
      %lt3A_92 = arith.cmpi slt, %rem3A_90, %lt3A : i32
      %lt3A_93 = arith.constant 0 : i32
      %lt3A_94 = arith.cmpi slt, %select_n3A_89, %lt3A_93 : i32
      %ne3A_95 = arith.xori %lt3A_92, %lt3A_94 : i1
      %and3A = arith.andi %ne3A_95, %ne3A_91 : i1
      %add3A_96 = arith.addi %rem3A_90, %select_n3A_89 : i32
      %select_n3A_97 = arith.select %and3A, %add3A_96, %rem3A_90 : i32
      %mul3A_98 = arith.constant 8 : i32
      %mul3A_99 = arith.muli %mul3A_98, %select_n3A_97 : i32
      %dma_start3A_100 = arith.constant 0 : i32
      %dma_start3A_101 = arith.constant 0 : i32
      %dma_start3A_102 = tpu.memref_slice %run_scoped3A_8[%rem3A_85, %dma_start3A_100, %dma_start3A_101] : memref<2x8x1024xf32, #tpu.memory_space<vmem>> -> memref<1x8x1024xf32, #tpu.memory_space<vmem>>
      %dma_start3A_103 = tpu.memref_squeeze %dma_start3A_102 : memref<1x8x1024xf32, #tpu.memory_space<vmem>> -> memref<8x1024xf32, #tpu.memory_space<vmem>>
      %dma_start3A_104 = arith.constant 0 : i32
      %dma_start3A_105 = tpu.memref_slice %arg3[%mul3A_99, %dma_start3A_104] : memref<4096x1024xf32, #tpu.memory_space<hbm>> -> memref<8x1024xf32, #tpu.memory_space<hbm>>
      %dma_start3A_106 = tpu.memref_slice %run_scoped3A_9[%rem3A_85] : memref<2x!tpu.dma_semaphore, #tpu.memory_space<semaphore_mem>> -> memref<1x!tpu.dma_semaphore, #tpu.memory_space<semaphore_mem>>
      %dma_start3A_107 = tpu.memref_squeeze %dma_start3A_106 : memref<1x!tpu.dma_semaphore, #tpu.memory_space<semaphore_mem>> -> memref<!tpu.dma_semaphore, #tpu.memory_space<semaphore_mem>>
      %dma_start3A_108 = arith.constant 0 : i32
      %dma_start3A_109 = arith.constant 0 : i32
      %dma_start3A_110 = tpu.memref_slice %run_scoped3A_8[%rem3A_85, %dma_start3A_108, %dma_start3A_109] : memref<2x8x1024xf32, #tpu.memory_space<vmem>> -> memref<1x8x1024xf32, #tpu.memory_space<vmem>>
      %dma_start3A_111 = tpu.memref_squeeze %dma_start3A_110 : memref<1x8x1024xf32, #tpu.memory_space<vmem>> -> memref<8x1024xf32, #tpu.memory_space<vmem>>
      %dma_start3A_112 = arith.constant 0 : i32
      %dma_start3A_113 = tpu.memref_slice %arg3[%mul3A_99, %dma_start3A_112] : memref<4096x1024xf32, #tpu.memory_space<hbm>> -> memref<8x1024xf32, #tpu.memory_space<hbm>>
      tpu.enqueue_dma source(%dma_start3A_113 : memref<8x1024xf32, #tpu.memory_space<hbm>>) target(%dma_start3A_111 : memref<8x1024xf32, #tpu.memory_space<vmem>>) target_semaphore(%dma_start3A_107 : memref<!tpu.dma_semaphore, #tpu.memory_space<semaphore_mem>>)
      %add3A_114 = arith.constant 0 : i32
      %add3A_115 = arith.constant 1 : i32
      %add3A_116 = arith.addi %add3A_114, %add3A_115 : i32
      %select_n3A_117 = arith.constant true
      %select_n3A_118 = arith.constant 0 : i32
      %select_n3A_119 = arith.select %select_n3A_117, %add3A_116, %select_n3A_118 : i32
      "tpu.trace_stop"() : () -> ()
      %scan3A = arith.constant 0 : i32
      %scan3A_120 = arith.constant 0 : i32
      %scan3A_121 = arith.constant 0 : i32
      %scan3A_122 = arith.constant 0 : i32
      %scan3A_123 = arith.constant 0 : i32
      %scan3A_124 = arith.constant 0 : i32
      %scan3A_125 = arith.constant 0 : i32
      %scan3A_126 = arith.constant 16 : i32
      %scan3A_127 = arith.addi %scan3A_125, %scan3A_126 : i32
      %scan3A_128 = arith.constant 1 : i32
      %scan3A_129:8 = scf.for %scan3A_211 = %scan3A_125 to %scan3A_127 step %scan3A_128 iter_args(%scan3A_212 = %select_n3A_82, %scan3A_213 = %scan3A, %scan3A_214 = %select_n3A_119, %scan3A_215 = %scan3A_120, %scan3A_216 = %scan3A_121, %scan3A_217 = %scan3A_122, %scan3A_218 = %scan3A_123, %scan3A_219 = %scan3A_124) -> (i32, i32, i32, i32, i32, i32, i32, i32)  : i32 {
        %eq3A_220 = arith.constant 0 : i32
        %eq3A_221 = arith.cmpi eq, %scan3A_211, %eq3A_220 : i32
        %eq3A_222 = arith.constant 15 : i32
        %eq3A_223 = arith.cmpi eq, %scan3A_211, %eq3A_222 : i32
        %add3A_224 = arith.addi %scan3A_218, %mul3A_6 : i32
        %select_n3A_225 = arith.constant true
        %select_n3A_226 = arith.constant 0 : i32
        %select_n3A_227 = arith.constant -1 : i32
        %select_n3A_228 = arith.select %select_n3A_225, %select_n3A_227, %select_n3A_226 : i32
        %eq3A_229 = arith.constant -1 : i32
        %eq3A_230 = arith.cmpi eq, %select_n3A_228, %eq3A_229 : i32
        %select_n3A_231 = arith.constant 0 : i32
        %select_n3A_232 = arith.select %eq3A_230, %select_n3A_231, %select_n3A_228 : i32
        %sub3A_233 = arith.constant 1 : i32
        %sub3A_234 = arith.subi %scan3A_218, %sub3A_233 : i32
        %select_n3A_235 = arith.select %eq3A_230, %sub3A_234, %scan3A_218 : i32
        %eq3A_236 = arith.constant -1 : i32
        %eq3A_237 = arith.cmpi eq, %select_n3A_235, %eq3A_236 : i32
        %select_n3A_238 = arith.constant 15 : i32
        %select_n3A_239 = arith.select %eq3A_237, %select_n3A_238, %select_n3A_235 : i32
        %add3A_240 = arith.addi %select_n3A_239, %mul3A_6 : i32
        %select_n3A_241 = arith.constant true
        %select_n3A_242 = arith.constant 0 : i32
        %select_n3A_243 = arith.constant 1 : i32
        %select_n3A_244 = arith.select %select_n3A_241, %select_n3A_243, %select_n3A_242 : i32
        %eq3A_245 = arith.constant 1 : i32
        %eq3A_246 = arith.cmpi eq, %select_n3A_244, %eq3A_245 : i32
        %select_n3A_247 = arith.constant 0 : i32
        %select_n3A_248 = arith.select %eq3A_246, %select_n3A_247, %select_n3A_244 : i32
        %add3A_249 = arith.constant 1 : i32
        %add3A_250 = arith.addi %scan3A_218, %add3A_249 : i32
        %select_n3A_251 = arith.select %eq3A_246, %add3A_250, %scan3A_218 : i32
        %eq3A_252 = arith.constant 16 : i32
        %eq3A_253 = arith.cmpi eq, %select_n3A_251, %eq3A_252 : i32
        %select_n3A_254 = arith.constant 0 : i32
        %select_n3A_255 = arith.select %eq3A_253, %select_n3A_254, %select_n3A_251 : i32
        %add3A_256 = arith.addi %select_n3A_255, %mul3A_6 : i32
        %select_n3A_257 = arith.constant true
        %select_n3A_258 = arith.constant 0 : i32
        %select_n3A_259 = arith.constant 1 : i32
        %select_n3A_260 = arith.select %select_n3A_257, %select_n3A_259, %select_n3A_258 : i32
        %eq3A_261 = arith.constant 1 : i32
        %eq3A_262 = arith.cmpi eq, %select_n3A_260, %eq3A_261 : i32
        %select_n3A_263 = arith.constant 0 : i32
        %select_n3A_264 = arith.select %eq3A_262, %select_n3A_263, %select_n3A_260 : i32
        %add3A_265 = arith.constant 1 : i32
        %add3A_266 = arith.addi %select_n3A_255, %add3A_265 : i32
        %select_n3A_267 = arith.select %eq3A_262, %add3A_266, %select_n3A_255 : i32
        %eq3A_268 = arith.constant 16 : i32
        %eq3A_269 = arith.cmpi eq, %select_n3A_267, %eq3A_268 : i32
        %select_n3A_270 = arith.constant 0 : i32
        %select_n3A_271 = arith.select %eq3A_269, %select_n3A_270, %select_n3A_267 : i32
        %add3A_272 = arith.addi %select_n3A_271, %mul3A_6 : i32
        %ne3A_273 = arith.cmpi ne, %add3A_224, %add3A_256 : i32
        %or3A = arith.constant false
        %or3A_274 = arith.ori %or3A, %ne3A_273 : i1
        %or3A_275 = arith.constant false
        %or3A_276 = arith.ori %or3A_274, %or3A_275 : i1
        %ge3A = arith.constant 15 : i32
        %ge3A_277 = arith.cmpi sge, %scan3A_211, %ge3A : i32
        %not3A = arith.constant true
        %not3A_278 = arith.xori %ge3A_277, %not3A : i1
        %and3A_279 = arith.andi %or3A_276, %not3A_278 : i1
        %convert_element_type3A = arith.extui %and3A_279 : i1 to i32
        %cond3A = arith.constant 0 : i32
        %cond3A_280 = arith.cmpi ne, %convert_element_type3A, %cond3A : i32
        scf.if %cond3A_280 {
          "tpu.trace_start"() <{level = 10 : i32, message = "ep_copy_in"}> : () -> ()
          %rem3A_624 = arith.constant 2 : i32
          %rem3A_625 = arith.remui %scan3A_212, %rem3A_624 : i32
          %mul3A_626 = arith.constant 8 : i32
          %mul3A_627 = arith.muli %mul3A_626, %add3A_256 : i32
          %dma_start3A_628 = arith.constant 0 : i32
          %dma_start3A_629 = arith.constant 0 : i32
          %dma_start3A_630 = tpu.memref_slice %run_scoped3A[%rem3A_625, %dma_start3A_628, %dma_start3A_629] : memref<2x8x1024xf32, #tpu.memory_space<vmem>> -> memref<1x8x1024xf32, #tpu.memory_space<vmem>>
          %dma_start3A_631 = tpu.memref_squeeze %dma_start3A_630 : memref<1x8x1024xf32, #tpu.memory_space<vmem>> -> memref<8x1024xf32, #tpu.memory_space<vmem>>
          %dma_start3A_632 = arith.constant 0 : i32
          %dma_start3A_633 = tpu.memref_slice %arg2[%mul3A_627, %dma_start3A_632] : memref<4096x1024xf32, #tpu.memory_space<hbm>> -> memref<8x1024xf32, #tpu.memory_space<hbm>>
          %dma_start3A_634 = tpu.memref_slice %run_scoped3A_7[%rem3A_625] : memref<2x!tpu.dma_semaphore, #tpu.memory_space<semaphore_mem>> -> memref<1x!tpu.dma_semaphore, #tpu.memory_space<semaphore_mem>>
          %dma_start3A_635 = tpu.memref_squeeze %dma_start3A_634 : memref<1x!tpu.dma_semaphore, #tpu.memory_space<semaphore_mem>> -> memref<!tpu.dma_semaphore, #tpu.memory_space<semaphore_mem>>
          %dma_start3A_636 = arith.constant 0 : i32
          %dma_start3A_637 = arith.constant 0 : i32
          %dma_start3A_638 = tpu.memref_slice %run_scoped3A[%rem3A_625, %dma_start3A_636, %dma_start3A_637] : memref<2x8x1024xf32, #tpu.memory_space<vmem>> -> memref<1x8x1024xf32, #tpu.memory_space<vmem>>
          %dma_start3A_639 = tpu.memref_squeeze %dma_start3A_638 : memref<1x8x1024xf32, #tpu.memory_space<vmem>> -> memref<8x1024xf32, #tpu.memory_space<vmem>>
          %dma_start3A_640 = arith.constant 0 : i32
          %dma_start3A_641 = tpu.memref_slice %arg2[%mul3A_627, %dma_start3A_640] : memref<4096x1024xf32, #tpu.memory_space<hbm>> -> memref<8x1024xf32, #tpu.memory_space<hbm>>
          tpu.enqueue_dma source(%dma_start3A_641 : memref<8x1024xf32, #tpu.memory_space<hbm>>) target(%dma_start3A_639 : memref<8x1024xf32, #tpu.memory_space<vmem>>) target_semaphore(%dma_start3A_635 : memref<!tpu.dma_semaphore, #tpu.memory_space<semaphore_mem>>)
          "tpu.trace_stop"() : () -> ()
        } else {
        }
        %and3A_281 = arith.constant true
        %and3A_282 = arith.andi %and3A_279, %and3A_281 : i1
        %add3A_283 = arith.constant 1 : i32
        %add3A_284 = arith.addi %scan3A_212, %add3A_283 : i32
        %select_n3A_285 = arith.select %and3A_282, %add3A_284, %scan3A_212 : i32
        %jit3A_286 = arith.constant 512 : i32
        %eq3A_287 = arith.constant 0 : i32
        %eq3A_288 = arith.cmpi eq, %jit3A_286, %eq3A_287 : i32
        %jit3A_289 = arith.constant 1 : i32
        %select_n3A_290 = arith.select %eq3A_288, %jit3A_289, %jit3A_286 : i32
        %rem3A_291 = arith.remsi %add3A_224, %select_n3A_290 : i32
        %ne3A_292 = arith.constant 0 : i32
        %ne3A_293 = arith.cmpi ne, %rem3A_291, %ne3A_292 : i32
        %lt3A_294 = arith.constant 0 : i32
        %lt3A_295 = arith.cmpi slt, %rem3A_291, %lt3A_294 : i32
        %lt3A_296 = arith.constant 0 : i32
        %lt3A_297 = arith.cmpi slt, %select_n3A_290, %lt3A_296 : i32
        %ne3A_298 = arith.xori %lt3A_295, %lt3A_297 : i1
        %and3A_299 = arith.andi %ne3A_298, %ne3A_293 : i1
        %add3A_300 = arith.addi %rem3A_291, %select_n3A_290 : i32
        %select_n3A_301 = arith.select %and3A_299, %add3A_300, %rem3A_291 : i32
        %jit3A_302 = arith.constant 512 : i32
        %eq3A_303 = arith.constant 0 : i32
        %eq3A_304 = arith.cmpi eq, %jit3A_302, %eq3A_303 : i32
        %jit3A_305 = arith.constant 1 : i32
        %select_n3A_306 = arith.select %eq3A_304, %jit3A_305, %jit3A_302 : i32
        %rem3A_307 = arith.remsi %add3A_256, %select_n3A_306 : i32
        %ne3A_308 = arith.constant 0 : i32
        %ne3A_309 = arith.cmpi ne, %rem3A_307, %ne3A_308 : i32
        %lt3A_310 = arith.constant 0 : i32
        %lt3A_311 = arith.cmpi slt, %rem3A_307, %lt3A_310 : i32
        %lt3A_312 = arith.constant 0 : i32
        %lt3A_313 = arith.cmpi slt, %select_n3A_306, %lt3A_312 : i32
        %ne3A_314 = arith.xori %lt3A_311, %lt3A_313 : i1
        %and3A_315 = arith.andi %ne3A_314, %ne3A_309 : i1
        %add3A_316 = arith.addi %rem3A_307, %select_n3A_306 : i32
        %select_n3A_317 = arith.select %and3A_315, %add3A_316, %rem3A_307 : i32
        %ne3A_318 = arith.cmpi ne, %select_n3A_301, %select_n3A_317 : i32
        %or3A_319 = arith.constant false
        %or3A_320 = arith.ori %or3A_319, %ne3A_318 : i1
        %or3A_321 = arith.constant false
        %or3A_322 = arith.ori %or3A_320, %or3A_321 : i1
        %ge3A_323 = arith.constant 15 : i32
        %ge3A_324 = arith.cmpi sge, %scan3A_211, %ge3A_323 : i32
        %not3A_325 = arith.constant true
        %not3A_326 = arith.xori %ge3A_324, %not3A_325 : i1
        %and3A_327 = arith.andi %or3A_322, %not3A_326 : i1
        %convert_element_type3A_328 = arith.extui %and3A_327 : i1 to i32
        %cond3A_329 = arith.constant 0 : i32
        %cond3A_330 = arith.cmpi ne, %convert_element_type3A_328, %cond3A_329 : i32
        scf.if %cond3A_330 {
          "tpu.trace_start"() <{level = 10 : i32, message = "ep_copy_in"}> : () -> ()
          %rem3A_624 = arith.constant 2 : i32
          %rem3A_625 = arith.remui %scan3A_214, %rem3A_624 : i32
          %jit3A_626 = arith.constant 512 : i32
          %eq3A_627 = arith.constant 0 : i32
          %eq3A_628 = arith.cmpi eq, %jit3A_626, %eq3A_627 : i32
          %jit3A_629 = arith.constant 1 : i32
          %select_n3A_630 = arith.select %eq3A_628, %jit3A_629, %jit3A_626 : i32
          %rem3A_631 = arith.remsi %add3A_256, %select_n3A_630 : i32
          %ne3A_632 = arith.constant 0 : i32
          %ne3A_633 = arith.cmpi ne, %rem3A_631, %ne3A_632 : i32
          %lt3A_634 = arith.constant 0 : i32
          %lt3A_635 = arith.cmpi slt, %rem3A_631, %lt3A_634 : i32
          %lt3A_636 = arith.constant 0 : i32
          %lt3A_637 = arith.cmpi slt, %select_n3A_630, %lt3A_636 : i32
          %ne3A_638 = arith.xori %lt3A_635, %lt3A_637 : i1
          %and3A_639 = arith.andi %ne3A_638, %ne3A_633 : i1
          %add3A_640 = arith.addi %rem3A_631, %select_n3A_630 : i32
          %select_n3A_641 = arith.select %and3A_639, %add3A_640, %rem3A_631 : i32
          %mul3A_642 = arith.constant 8 : i32
          %mul3A_643 = arith.muli %mul3A_642, %select_n3A_641 : i32
          %dma_start3A_644 = arith.constant 0 : i32
          %dma_start3A_645 = arith.constant 0 : i32
          %dma_start3A_646 = tpu.memref_slice %run_scoped3A_8[%rem3A_625, %dma_start3A_644, %dma_start3A_645] : memref<2x8x1024xf32, #tpu.memory_space<vmem>> -> memref<1x8x1024xf32, #tpu.memory_space<vmem>>
          %dma_start3A_647 = tpu.memref_squeeze %dma_start3A_646 : memref<1x8x1024xf32, #tpu.memory_space<vmem>> -> memref<8x1024xf32, #tpu.memory_space<vmem>>
          %dma_start3A_648 = arith.constant 0 : i32
          %dma_start3A_649 = tpu.memref_slice %arg3[%mul3A_643, %dma_start3A_648] : memref<4096x1024xf32, #tpu.memory_space<hbm>> -> memref<8x1024xf32, #tpu.memory_space<hbm>>
          %dma_start3A_650 = tpu.memref_slice %run_scoped3A_9[%rem3A_625] : memref<2x!tpu.dma_semaphore, #tpu.memory_space<semaphore_mem>> -> memref<1x!tpu.dma_semaphore, #tpu.memory_space<semaphore_mem>>
          %dma_start3A_651 = tpu.memref_squeeze %dma_start3A_650 : memref<1x!tpu.dma_semaphore, #tpu.memory_space<semaphore_mem>> -> memref<!tpu.dma_semaphore, #tpu.memory_space<semaphore_mem>>
          %dma_start3A_652 = arith.constant 0 : i32
          %dma_start3A_653 = arith.constant 0 : i32
          %dma_start3A_654 = tpu.memref_slice %run_scoped3A_8[%rem3A_625, %dma_start3A_652, %dma_start3A_653] : memref<2x8x1024xf32, #tpu.memory_space<vmem>> -> memref<1x8x1024xf32, #tpu.memory_space<vmem>>
          %dma_start3A_655 = tpu.memref_squeeze %dma_start3A_654 : memref<1x8x1024xf32, #tpu.memory_space<vmem>> -> memref<8x1024xf32, #tpu.memory_space<vmem>>
          %dma_start3A_656 = arith.constant 0 : i32
          %dma_start3A_657 = tpu.memref_slice %arg3[%mul3A_643, %dma_start3A_656] : memref<4096x1024xf32, #tpu.memory_space<hbm>> -> memref<8x1024xf32, #tpu.memory_space<hbm>>
          tpu.enqueue_dma source(%dma_start3A_657 : memref<8x1024xf32, #tpu.memory_space<hbm>>) target(%dma_start3A_655 : memref<8x1024xf32, #tpu.memory_space<vmem>>) target_semaphore(%dma_start3A_651 : memref<!tpu.dma_semaphore, #tpu.memory_space<semaphore_mem>>)
          "tpu.trace_stop"() : () -> ()
        } else {
        }
        %and3A_331 = arith.constant true
        %and3A_332 = arith.andi %and3A_327, %and3A_331 : i1
        %add3A_333 = arith.constant 1 : i32
        %add3A_334 = arith.addi %scan3A_214, %add3A_333 : i32
        %select_n3A_335 = arith.select %and3A_332, %add3A_334, %scan3A_214 : i32
        %ne3A_336 = arith.cmpi ne, %add3A_224, %add3A_256 : i32
        %or3A_337 = arith.constant false
        %or3A_338 = arith.ori %or3A_337, %ne3A_336 : i1
        %or3A_339 = arith.constant false
        %or3A_340 = arith.ori %or3A_338, %or3A_339 : i1
        %ge3A_341 = arith.constant 15 : i32
        %ge3A_342 = arith.cmpi sge, %scan3A_211, %ge3A_341 : i32
        %not3A_343 = arith.constant true
        %not3A_344 = arith.xori %ge3A_342, %not3A_343 : i1
        %and3A_345 = arith.andi %or3A_340, %not3A_344 : i1
        %ne3A_346 = arith.cmpi ne, %add3A_224, %add3A_240 : i32
        %or3A_347 = arith.constant false
        %or3A_348 = arith.ori %or3A_347, %ne3A_346 : i1
        %or3A_349 = arith.constant false
        %or3A_350 = arith.ori %or3A_348, %or3A_349 : i1
        %or3A_351 = arith.ori %or3A_350, %eq3A_221 : i1
        %convert_element_type3A_352 = arith.extui %or3A_351 : i1 to i32
        %cond3A_353 = arith.constant 0 : i32
        %cond3A_354 = arith.cmpi ne, %convert_element_type3A_352, %cond3A_353 : i32
        scf.if %cond3A_354 {
          "tpu.trace_start"() <{level = 10 : i32, message = "ep_wait_in"}> : () -> ()
          %mul3A_624 = arith.constant 8 : i32
          %mul3A_625 = arith.muli %mul3A_624, %add3A_224 : i32
          %rem3A_626 = arith.constant 2 : i32
          %rem3A_627 = arith.remui %scan3A_213, %rem3A_626 : i32
          %dma_wait3A_628 = arith.constant 0 : i32
          %dma_wait3A_629 = arith.constant 0 : i32
          %dma_wait3A_630 = tpu.memref_slice %run_scoped3A[%rem3A_627, %dma_wait3A_628, %dma_wait3A_629] : memref<2x8x1024xf32, #tpu.memory_space<vmem>> -> memref<1x8x1024xf32, #tpu.memory_space<vmem>>
          %dma_wait3A_631 = tpu.memref_squeeze %dma_wait3A_630 : memref<1x8x1024xf32, #tpu.memory_space<vmem>> -> memref<8x1024xf32, #tpu.memory_space<vmem>>
          %dma_wait3A_632 = arith.constant 0 : i32
          %dma_wait3A_633 = tpu.memref_slice %arg2[%mul3A_625, %dma_wait3A_632] : memref<4096x1024xf32, #tpu.memory_space<hbm>> -> memref<8x1024xf32, #tpu.memory_space<hbm>>
          %dma_wait3A_634 = tpu.memref_slice %run_scoped3A_7[%rem3A_627] : memref<2x!tpu.dma_semaphore, #tpu.memory_space<semaphore_mem>> -> memref<1x!tpu.dma_semaphore, #tpu.memory_space<semaphore_mem>>
          %dma_wait3A_635 = tpu.memref_squeeze %dma_wait3A_634 : memref<1x!tpu.dma_semaphore, #tpu.memory_space<semaphore_mem>> -> memref<!tpu.dma_semaphore, #tpu.memory_space<semaphore_mem>>
          %dma_wait3A_636 = arith.constant 0 : i32
          %dma_wait3A_637 = arith.constant 0 : i32
          %dma_wait3A_638 = tpu.memref_slice %run_scoped3A[%rem3A_627, %dma_wait3A_636, %dma_wait3A_637] : memref<2x8x1024xf32, #tpu.memory_space<vmem>> -> memref<1x8x1024xf32, #tpu.memory_space<vmem>>
          %dma_wait3A_639 = tpu.memref_squeeze %dma_wait3A_638 : memref<1x8x1024xf32, #tpu.memory_space<vmem>> -> memref<8x1024xf32, #tpu.memory_space<vmem>>
          %dma_wait3A_640 = arith.constant 0 : i32
          %dma_wait3A_641 = tpu.memref_slice %arg2[%mul3A_625, %dma_wait3A_640] : memref<4096x1024xf32, #tpu.memory_space<hbm>> -> memref<8x1024xf32, #tpu.memory_space<hbm>>
          tpu.wait_dma2 semaphore(%dma_wait3A_635 : memref<!tpu.dma_semaphore, #tpu.memory_space<semaphore_mem>>) src(%dma_wait3A_641 : memref<8x1024xf32, #tpu.memory_space<hbm>>) dst(%dma_wait3A_639 : memref<8x1024xf32, #tpu.memory_space<vmem>>)
          "tpu.trace_stop"() : () -> ()
        } else {
        }
        %jit3A_355 = arith.constant 512 : i32
        %eq3A_356 = arith.constant 0 : i32
        %eq3A_357 = arith.cmpi eq, %jit3A_355, %eq3A_356 : i32
        %jit3A_358 = arith.constant 1 : i32
        %select_n3A_359 = arith.select %eq3A_357, %jit3A_358, %jit3A_355 : i32
        %rem3A_360 = arith.remsi %add3A_224, %select_n3A_359 : i32
        %ne3A_361 = arith.constant 0 : i32
        %ne3A_362 = arith.cmpi ne, %rem3A_360, %ne3A_361 : i32
        %lt3A_363 = arith.constant 0 : i32
        %lt3A_364 = arith.cmpi slt, %rem3A_360, %lt3A_363 : i32
        %lt3A_365 = arith.constant 0 : i32
        %lt3A_366 = arith.cmpi slt, %select_n3A_359, %lt3A_365 : i32
        %ne3A_367 = arith.xori %lt3A_364, %lt3A_366 : i1
        %and3A_368 = arith.andi %ne3A_367, %ne3A_362 : i1
        %add3A_369 = arith.addi %rem3A_360, %select_n3A_359 : i32
        %select_n3A_370 = arith.select %and3A_368, %add3A_369, %rem3A_360 : i32
        %jit3A_371 = arith.constant 512 : i32
        %eq3A_372 = arith.constant 0 : i32
        %eq3A_373 = arith.cmpi eq, %jit3A_371, %eq3A_372 : i32
        %jit3A_374 = arith.constant 1 : i32
        %select_n3A_375 = arith.select %eq3A_373, %jit3A_374, %jit3A_371 : i32
        %rem3A_376 = arith.remsi %add3A_240, %select_n3A_375 : i32
        %ne3A_377 = arith.constant 0 : i32
        %ne3A_378 = arith.cmpi ne, %rem3A_376, %ne3A_377 : i32
        %lt3A_379 = arith.constant 0 : i32
        %lt3A_380 = arith.cmpi slt, %rem3A_376, %lt3A_379 : i32
        %lt3A_381 = arith.constant 0 : i32
        %lt3A_382 = arith.cmpi slt, %select_n3A_375, %lt3A_381 : i32
        %ne3A_383 = arith.xori %lt3A_380, %lt3A_382 : i1
        %and3A_384 = arith.andi %ne3A_383, %ne3A_378 : i1
        %add3A_385 = arith.addi %rem3A_376, %select_n3A_375 : i32
        %select_n3A_386 = arith.select %and3A_384, %add3A_385, %rem3A_376 : i32
        %ne3A_387 = arith.cmpi ne, %select_n3A_370, %select_n3A_386 : i32
        %or3A_388 = arith.constant false
        %or3A_389 = arith.ori %or3A_388, %ne3A_387 : i1
        %or3A_390 = arith.constant false
        %or3A_391 = arith.ori %or3A_389, %or3A_390 : i1
        %or3A_392 = arith.ori %or3A_391, %eq3A_221 : i1
        %convert_element_type3A_393 = arith.extui %or3A_392 : i1 to i32
        %cond3A_394 = arith.constant 0 : i32
        %cond3A_395 = arith.cmpi ne, %convert_element_type3A_393, %cond3A_394 : i32
        scf.if %cond3A_395 {
          %jit3A_624 = arith.constant 512 : i32
          "tpu.trace_start"() <{level = 10 : i32, message = "ep_wait_in"}> : () -> ()
          %eq3A_625 = arith.constant 0 : i32
          %eq3A_626 = arith.cmpi eq, %jit3A_624, %eq3A_625 : i32
          %jit3A_627 = arith.constant 1 : i32
          %select_n3A_628 = arith.select %eq3A_626, %jit3A_627, %jit3A_624 : i32
          %rem3A_629 = arith.remsi %add3A_224, %select_n3A_628 : i32
          %ne3A_630 = arith.constant 0 : i32
          %ne3A_631 = arith.cmpi ne, %rem3A_629, %ne3A_630 : i32
          %lt3A_632 = arith.constant 0 : i32
          %lt3A_633 = arith.cmpi slt, %rem3A_629, %lt3A_632 : i32
          %lt3A_634 = arith.constant 0 : i32
          %lt3A_635 = arith.cmpi slt, %select_n3A_628, %lt3A_634 : i32
          %ne3A_636 = arith.xori %lt3A_633, %lt3A_635 : i1
          %and3A_637 = arith.andi %ne3A_636, %ne3A_631 : i1
          %add3A_638 = arith.addi %rem3A_629, %select_n3A_628 : i32
          %select_n3A_639 = arith.select %and3A_637, %add3A_638, %rem3A_629 : i32
          %mul3A_640 = arith.constant 8 : i32
          %mul3A_641 = arith.muli %mul3A_640, %select_n3A_639 : i32
          %rem3A_642 = arith.constant 2 : i32
          %rem3A_643 = arith.remui %scan3A_215, %rem3A_642 : i32
          %dma_wait3A_644 = arith.constant 0 : i32
          %dma_wait3A_645 = arith.constant 0 : i32
          %dma_wait3A_646 = tpu.memref_slice %run_scoped3A_8[%rem3A_643, %dma_wait3A_644, %dma_wait3A_645] : memref<2x8x1024xf32, #tpu.memory_space<vmem>> -> memref<1x8x1024xf32, #tpu.memory_space<vmem>>
          %dma_wait3A_647 = tpu.memref_squeeze %dma_wait3A_646 : memref<1x8x1024xf32, #tpu.memory_space<vmem>> -> memref<8x1024xf32, #tpu.memory_space<vmem>>
          %dma_wait3A_648 = arith.constant 0 : i32
          %dma_wait3A_649 = tpu.memref_slice %arg3[%mul3A_641, %dma_wait3A_648] : memref<4096x1024xf32, #tpu.memory_space<hbm>> -> memref<8x1024xf32, #tpu.memory_space<hbm>>
          %dma_wait3A_650 = tpu.memref_slice %run_scoped3A_9[%rem3A_643] : memref<2x!tpu.dma_semaphore, #tpu.memory_space<semaphore_mem>> -> memref<1x!tpu.dma_semaphore, #tpu.memory_space<semaphore_mem>>
          %dma_wait3A_651 = tpu.memref_squeeze %dma_wait3A_650 : memref<1x!tpu.dma_semaphore, #tpu.memory_space<semaphore_mem>> -> memref<!tpu.dma_semaphore, #tpu.memory_space<semaphore_mem>>
          %dma_wait3A_652 = arith.constant 0 : i32
          %dma_wait3A_653 = arith.constant 0 : i32
          %dma_wait3A_654 = tpu.memref_slice %run_scoped3A_8[%rem3A_643, %dma_wait3A_652, %dma_wait3A_653] : memref<2x8x1024xf32, #tpu.memory_space<vmem>> -> memref<1x8x1024xf32, #tpu.memory_space<vmem>>
          %dma_wait3A_655 = tpu.memref_squeeze %dma_wait3A_654 : memref<1x8x1024xf32, #tpu.memory_space<vmem>> -> memref<8x1024xf32, #tpu.memory_space<vmem>>
          %dma_wait3A_656 = arith.constant 0 : i32
          %dma_wait3A_657 = tpu.memref_slice %arg3[%mul3A_641, %dma_wait3A_656] : memref<4096x1024xf32, #tpu.memory_space<hbm>> -> memref<8x1024xf32, #tpu.memory_space<hbm>>
          tpu.wait_dma2 semaphore(%dma_wait3A_651 : memref<!tpu.dma_semaphore, #tpu.memory_space<semaphore_mem>>) src(%dma_wait3A_657 : memref<8x1024xf32, #tpu.memory_space<hbm>>) dst(%dma_wait3A_655 : memref<8x1024xf32, #tpu.memory_space<vmem>>)
          "tpu.trace_stop"() : () -> ()
        } else {
        }
        %ne3A_396 = arith.cmpi ne, %add3A_224, %add3A_240 : i32
        %or3A_397 = arith.constant false
        %or3A_398 = arith.ori %or3A_397, %ne3A_396 : i1
        %or3A_399 = arith.constant false
        %or3A_400 = arith.ori %or3A_398, %or3A_399 : i1
        %or3A_401 = arith.ori %or3A_400, %eq3A_221 : i1
        %convert_element_type3A_402 = arith.extui %or3A_401 : i1 to i32
        %cond3A_403 = arith.constant 0 : i32
        %cond3A_404 = arith.cmpi ne, %convert_element_type3A_402, %cond3A_403 : i32
        scf.if %cond3A_404 {
        } else {
        }
        %rem3A_405 = arith.constant 2 : i32
        %rem3A_406 = arith.remui %scan3A_213, %rem3A_405 : i32
        %rem3A_407 = arith.constant 2 : i32
        %rem3A_408 = arith.remui %scan3A_215, %rem3A_407 : i32
        %rem3A_409 = arith.constant 2 : i32
        %rem3A_410 = arith.remui %scan3A_216, %rem3A_409 : i32
        "tpu.trace_start"() <{level = 10 : i32, message = "ep_run_kernel"}> : () -> ()
        %scan3A_411 = arith.constant 0 : i32
        %scan3A_412 = arith.constant 8 : i32
        %scan3A_413 = arith.addi %scan3A_411, %scan3A_412 : i32
        %scan3A_414 = arith.constant 1 : i32
        scf.for %scan3A_624 = %scan3A_411 to %scan3A_413 step %scan3A_414  : i32 {
          %mul3A_625 = arith.constant 1 : i32
          %mul3A_626 = arith.muli %scan3A_624, %mul3A_625 : i32
          %add3A_627 = arith.constant 0 : i32
          %add3A_628 = arith.addi %add3A_627, %mul3A_626 : i32
          %scan3A_629 = arith.constant 0 : i32
          %scan3A_630 = arith.constant 64 : i32
          %scan3A_631 = arith.addi %scan3A_629, %scan3A_630 : i32
          %scan3A_632 = arith.constant 1 : i32
          scf.for %scan3A_634 = %scan3A_629 to %scan3A_631 step %scan3A_632  : i32 {
            %mul3A_635 = arith.constant 16 : i32
            %mul3A_636 = arith.muli %scan3A_634, %mul3A_635 : i32
            %add3A_637 = arith.constant 0 : i32
            %add3A_638 = arith.addi %add3A_637, %mul3A_636 : i32
            %get3A = arith.constant 0 : i32
            %get3A_639 = arith.constant 0 : i32
            %get3A_640 = tpu.memref_slice %run_scoped3A[%rem3A_406, %get3A, %get3A_639] : memref<2x8x1024xf32, #tpu.memory_space<vmem>> -> memref<1x8x1024xf32, #tpu.memory_space<vmem>>
            %get3A_641 = tpu.memref_squeeze %get3A_640 : memref<1x8x1024xf32, #tpu.memory_space<vmem>> -> memref<8x1024xf32, #tpu.memory_space<vmem>>
            %get3A_642 = arith.index_cast %add3A_628 : i32 to index
            %get3A_643 = arith.index_cast %add3A_638 : i32 to index
            %get3A_644 = tpu.vector_load %get3A_641[%get3A_642, %get3A_643] {strides = array<i32>} : memref<8x1024xf32, #tpu.memory_space<vmem>>, vector<1x16xf32>,
            %get3A_645 = vector.shape_cast %get3A_644 : vector<1x16xf32> to vector<1x16xf32>
            %get3A_646 = arith.constant 0 : i32
            %get3A_647 = arith.constant 0 : i32
            %get3A_648 = tpu.memref_slice %run_scoped3A_8[%rem3A_408, %get3A_646, %get3A_647] : memref<2x8x1024xf32, #tpu.memory_space<vmem>> -> memref<1x8x1024xf32, #tpu.memory_space<vmem>>
            %get3A_649 = tpu.memref_squeeze %get3A_648 : memref<1x8x1024xf32, #tpu.memory_space<vmem>> -> memref<8x1024xf32, #tpu.memory_space<vmem>>
            %get3A_650 = arith.index_cast %add3A_628 : i32 to index
            %get3A_651 = arith.index_cast %add3A_638 : i32 to index
            %get3A_652 = tpu.vector_load %get3A_649[%get3A_650, %get3A_651] {strides = array<i32>} : memref<8x1024xf32, #tpu.memory_space<vmem>>, vector<1x16xf32>,
            %get3A_653 = vector.shape_cast %get3A_652 : vector<1x16xf32> to vector<1x16xf32>
            %add3A_654 = arith.addf %get3A_645, %get3A_653 : vector<1x16xf32>
            %swap3A = arith.constant 0 : i32
            %swap3A_655 = arith.constant 0 : i32
            %swap3A_656 = tpu.memref_slice %run_scoped3A_10[%rem3A_410, %swap3A, %swap3A_655] : memref<2x8x1024xf32, #tpu.memory_space<vmem>> -> memref<1x8x1024xf32, #tpu.memory_space<vmem>>
            %swap3A_657 = tpu.memref_squeeze %swap3A_656 : memref<1x8x1024xf32, #tpu.memory_space<vmem>> -> memref<8x1024xf32, #tpu.memory_space<vmem>>
            %swap3A_658 = arith.index_cast %add3A_628 : i32 to index
            %swap3A_659 = arith.index_cast %add3A_638 : i32 to index
            %swap3A_660 = tpu.vector_load %swap3A_657[%swap3A_658, %swap3A_659] {strides = array<i32>} : memref<8x1024xf32, #tpu.memory_space<vmem>>, vector<1x16xf32>,
            %swap3A_661 = vector.shape_cast %swap3A_660 : vector<1x16xf32> to vector<1x16xf32>
            %swap3A_662 = vector.shape_cast %add3A_654 : vector<1x16xf32> to vector<1x16xf32>
            tpu.vector_store %swap3A_657[%swap3A_658, %swap3A_659], %swap3A_662 {strides = array<i32>} : memref<8x1024xf32, #tpu.memory_space<vmem>>, vector<1x16xf32>,
          }
          %scan3A_633 = arith.constant 64 : i32
        }
        %scan3A_415 = arith.constant 8 : i32
        "tpu.trace_stop"() : () -> ()
        %ne3A_416 = arith.cmpi ne, %add3A_224, %add3A_256 : i32
        %or3A_417 = arith.constant false
        %or3A_418 = arith.ori %or3A_417, %ne3A_416 : i1
        %or3A_419 = arith.constant false
        %or3A_420 = arith.ori %or3A_418, %or3A_419 : i1
        %or3A_421 = arith.ori %or3A_420, %eq3A_223 : i1
        %convert_element_type3A_422 = arith.extui %or3A_421 : i1 to i32
        %cond3A_423 = arith.constant 0 : i32
        %cond3A_424 = arith.cmpi ne, %convert_element_type3A_422, %cond3A_423 : i32
        scf.if %cond3A_424 {
        } else {
        }
        %and3A_425 = arith.constant false
        %and3A_426 = arith.andi %or3A_421, %and3A_425 : i1
        %jit3A_427 = arith.constant 512 : i32
        %eq3A_428 = arith.constant 0 : i32
        %eq3A_429 = arith.cmpi eq, %jit3A_427, %eq3A_428 : i32
        %jit3A_430 = arith.constant 1 : i32
        %select_n3A_431 = arith.select %eq3A_429, %jit3A_430, %jit3A_427 : i32
        %rem3A_432 = arith.remsi %add3A_224, %select_n3A_431 : i32
        %ne3A_433 = arith.constant 0 : i32
        %ne3A_434 = arith.cmpi ne, %rem3A_432, %ne3A_433 : i32
        %lt3A_435 = arith.constant 0 : i32
        %lt3A_436 = arith.cmpi slt, %rem3A_432, %lt3A_435 : i32
        %lt3A_437 = arith.constant 0 : i32
        %lt3A_438 = arith.cmpi slt, %select_n3A_431, %lt3A_437 : i32
        %ne3A_439 = arith.xori %lt3A_436, %lt3A_438 : i1
        %and3A_440 = arith.andi %ne3A_439, %ne3A_434 : i1
        %add3A_441 = arith.addi %rem3A_432, %select_n3A_431 : i32
        %select_n3A_442 = arith.select %and3A_440, %add3A_441, %rem3A_432 : i32
        %jit3A_443 = arith.constant 512 : i32
        %eq3A_444 = arith.constant 0 : i32
        %eq3A_445 = arith.cmpi eq, %jit3A_443, %eq3A_444 : i32
        %jit3A_446 = arith.constant 1 : i32
        %select_n3A_447 = arith.select %eq3A_445, %jit3A_446, %jit3A_443 : i32
        %rem3A_448 = arith.remsi %add3A_256, %select_n3A_447 : i32
        %ne3A_449 = arith.constant 0 : i32
        %ne3A_450 = arith.cmpi ne, %rem3A_448, %ne3A_449 : i32
        %lt3A_451 = arith.constant 0 : i32
        %lt3A_452 = arith.cmpi slt, %rem3A_448, %lt3A_451 : i32
        %lt3A_453 = arith.constant 0 : i32
        %lt3A_454 = arith.cmpi slt, %select_n3A_447, %lt3A_453 : i32
        %ne3A_455 = arith.xori %lt3A_452, %lt3A_454 : i1
        %and3A_456 = arith.andi %ne3A_455, %ne3A_450 : i1
        %add3A_457 = arith.addi %rem3A_448, %select_n3A_447 : i32
        %select_n3A_458 = arith.select %and3A_456, %add3A_457, %rem3A_448 : i32
        %ne3A_459 = arith.cmpi ne, %select_n3A_442, %select_n3A_458 : i32
        %or3A_460 = arith.constant false
        %or3A_461 = arith.ori %or3A_460, %ne3A_459 : i1
        %or3A_462 = arith.constant false
        %or3A_463 = arith.ori %or3A_461, %or3A_462 : i1
        %or3A_464 = arith.ori %or3A_463, %eq3A_223 : i1
        %convert_element_type3A_465 = arith.extui %or3A_464 : i1 to i32
        %cond3A_466 = arith.constant 0 : i32
        %cond3A_467 = arith.cmpi ne, %convert_element_type3A_465, %cond3A_466 : i32
        scf.if %cond3A_467 {
        } else {
        }
        %and3A_468 = arith.constant false
        %and3A_469 = arith.andi %or3A_464, %and3A_468 : i1
        %ne3A_470 = arith.cmpi ne, %add3A_224, %add3A_256 : i32
        %or3A_471 = arith.constant false
        %or3A_472 = arith.ori %or3A_471, %ne3A_470 : i1
        %or3A_473 = arith.constant false
        %or3A_474 = arith.ori %or3A_472, %or3A_473 : i1
        %or3A_475 = arith.ori %or3A_474, %eq3A_223 : i1
        %convert_element_type3A_476 = arith.extui %or3A_475 : i1 to i32
        %cond3A_477 = arith.constant 0 : i32
        %cond3A_478 = arith.cmpi ne, %convert_element_type3A_476, %cond3A_477 : i32
        scf.if %cond3A_478 {
          "tpu.trace_start"() <{level = 10 : i32, message = "ep_copy_out"}> : () -> ()
          %rem3A_624 = arith.constant 2 : i32
          %rem3A_625 = arith.remui %scan3A_216, %rem3A_624 : i32
          %mul3A_626 = arith.constant 8 : i32
          %mul3A_627 = arith.muli %mul3A_626, %add3A_224 : i32
          %dma_start3A_628 = arith.constant 0 : i32
          %dma_start3A_629 = arith.constant 0 : i32
          %dma_start3A_630 = tpu.memref_slice %run_scoped3A_10[%rem3A_625, %dma_start3A_628, %dma_start3A_629] : memref<2x8x1024xf32, #tpu.memory_space<vmem>> -> memref<1x8x1024xf32, #tpu.memory_space<vmem>>
          %dma_start3A_631 = tpu.memref_squeeze %dma_start3A_630 : memref<1x8x1024xf32, #tpu.memory_space<vmem>> -> memref<8x1024xf32, #tpu.memory_space<vmem>>
          %dma_start3A_632 = arith.constant 0 : i32
          %dma_start3A_633 = tpu.memref_slice %arg4[%mul3A_627, %dma_start3A_632] : memref<4096x1024xf32, #tpu.memory_space<hbm>> -> memref<8x1024xf32, #tpu.memory_space<hbm>>
          %dma_start3A_634 = tpu.memref_slice %run_scoped3A_11[%rem3A_625] : memref<2x!tpu.dma_semaphore, #tpu.memory_space<semaphore_mem>> -> memref<1x!tpu.dma_semaphore, #tpu.memory_space<semaphore_mem>>
          %dma_start3A_635 = tpu.memref_squeeze %dma_start3A_634 : memref<1x!tpu.dma_semaphore, #tpu.memory_space<semaphore_mem>> -> memref<!tpu.dma_semaphore, #tpu.memory_space<semaphore_mem>>
          %dma_start3A_636 = arith.constant 0 : i32
          %dma_start3A_637 = tpu.memref_slice %arg4[%mul3A_627, %dma_start3A_636] : memref<4096x1024xf32, #tpu.memory_space<hbm>> -> memref<8x1024xf32, #tpu.memory_space<hbm>>
          %dma_start3A_638 = arith.constant 0 : i32
          %dma_start3A_639 = arith.constant 0 : i32
          %dma_start3A_640 = tpu.memref_slice %run_scoped3A_10[%rem3A_625, %dma_start3A_638, %dma_start3A_639] : memref<2x8x1024xf32, #tpu.memory_space<vmem>> -> memref<1x8x1024xf32, #tpu.memory_space<vmem>>
          %dma_start3A_641 = tpu.memref_squeeze %dma_start3A_640 : memref<1x8x1024xf32, #tpu.memory_space<vmem>> -> memref<8x1024xf32, #tpu.memory_space<vmem>>
          tpu.enqueue_dma source(%dma_start3A_641 : memref<8x1024xf32, #tpu.memory_space<vmem>>) target(%dma_start3A_637 : memref<8x1024xf32, #tpu.memory_space<hbm>>) target_semaphore(%dma_start3A_635 : memref<!tpu.dma_semaphore, #tpu.memory_space<semaphore_mem>>)
          "tpu.trace_stop"() : () -> ()
        } else {
        }
        %and3A_479 = arith.constant true
        %and3A_480 = arith.andi %or3A_475, %and3A_479 : i1
        %add3A_481 = arith.constant 1 : i32
        %add3A_482 = arith.addi %scan3A_216, %add3A_481 : i32
        %select_n3A_483 = arith.select %and3A_480, %add3A_482, %scan3A_216 : i32
        %ne3A_484 = arith.cmpi ne, %add3A_224, %add3A_240 : i32
        %or3A_485 = arith.constant false
        %or3A_486 = arith.ori %or3A_485, %ne3A_484 : i1
        %or3A_487 = arith.constant false
        %or3A_488 = arith.ori %or3A_486, %or3A_487 : i1
        %not3A_489 = arith.constant true
        %not3A_490 = arith.xori %eq3A_221, %not3A_489 : i1
        %and3A_491 = arith.andi %or3A_488, %not3A_490 : i1
        %convert_element_type3A_492 = arith.extui %and3A_491 : i1 to i32
        %cond3A_493 = arith.constant 0 : i32
        %cond3A_494 = arith.cmpi ne, %convert_element_type3A_492, %cond3A_493 : i32
        scf.if %cond3A_494 {
        } else {
        }
        %and3A_495 = arith.constant false
        %and3A_496 = arith.andi %and3A_491, %and3A_495 : i1
        %jit3A_497 = arith.constant 512 : i32
        %eq3A_498 = arith.constant 0 : i32
        %eq3A_499 = arith.cmpi eq, %jit3A_497, %eq3A_498 : i32
        %jit3A_500 = arith.constant 1 : i32
        %select_n3A_501 = arith.select %eq3A_499, %jit3A_500, %jit3A_497 : i32
        %rem3A_502 = arith.remsi %add3A_224, %select_n3A_501 : i32
        %ne3A_503 = arith.constant 0 : i32
        %ne3A_504 = arith.cmpi ne, %rem3A_502, %ne3A_503 : i32
        %lt3A_505 = arith.constant 0 : i32
        %lt3A_506 = arith.cmpi slt, %rem3A_502, %lt3A_505 : i32
        %lt3A_507 = arith.constant 0 : i32
        %lt3A_508 = arith.cmpi slt, %select_n3A_501, %lt3A_507 : i32
        %ne3A_509 = arith.xori %lt3A_506, %lt3A_508 : i1
        %and3A_510 = arith.andi %ne3A_509, %ne3A_504 : i1
        %add3A_511 = arith.addi %rem3A_502, %select_n3A_501 : i32
        %select_n3A_512 = arith.select %and3A_510, %add3A_511, %rem3A_502 : i32
        %jit3A_513 = arith.constant 512 : i32
        %eq3A_514 = arith.constant 0 : i32
        %eq3A_515 = arith.cmpi eq, %jit3A_513, %eq3A_514 : i32
        %jit3A_516 = arith.constant 1 : i32
        %select_n3A_517 = arith.select %eq3A_515, %jit3A_516, %jit3A_513 : i32
        %rem3A_518 = arith.remsi %add3A_240, %select_n3A_517 : i32
        %ne3A_519 = arith.constant 0 : i32
        %ne3A_520 = arith.cmpi ne, %rem3A_518, %ne3A_519 : i32
        %lt3A_521 = arith.constant 0 : i32
        %lt3A_522 = arith.cmpi slt, %rem3A_518, %lt3A_521 : i32
        %lt3A_523 = arith.constant 0 : i32
        %lt3A_524 = arith.cmpi slt, %select_n3A_517, %lt3A_523 : i32
        %ne3A_525 = arith.xori %lt3A_522, %lt3A_524 : i1
        %and3A_526 = arith.andi %ne3A_525, %ne3A_520 : i1
        %add3A_527 = arith.addi %rem3A_518, %select_n3A_517 : i32
        %select_n3A_528 = arith.select %and3A_526, %add3A_527, %rem3A_518 : i32
        %ne3A_529 = arith.cmpi ne, %select_n3A_512, %select_n3A_528 : i32
        %or3A_530 = arith.constant false
        %or3A_531 = arith.ori %or3A_530, %ne3A_529 : i1
        %or3A_532 = arith.constant false
        %or3A_533 = arith.ori %or3A_531, %or3A_532 : i1
        %not3A_534 = arith.constant true
        %not3A_535 = arith.xori %eq3A_221, %not3A_534 : i1
        %and3A_536 = arith.andi %or3A_533, %not3A_535 : i1
        %convert_element_type3A_537 = arith.extui %and3A_536 : i1 to i32
        %cond3A_538 = arith.constant 0 : i32
        %cond3A_539 = arith.cmpi ne, %convert_element_type3A_537, %cond3A_538 : i32
        scf.if %cond3A_539 {
        } else {
        }
        %and3A_540 = arith.constant false
        %and3A_541 = arith.andi %and3A_536, %and3A_540 : i1
        %ne3A_542 = arith.cmpi ne, %add3A_224, %add3A_240 : i32
        %or3A_543 = arith.constant false
        %or3A_544 = arith.ori %or3A_543, %ne3A_542 : i1
        %or3A_545 = arith.constant false
        %or3A_546 = arith.ori %or3A_544, %or3A_545 : i1
        %not3A_547 = arith.constant true
        %not3A_548 = arith.xori %eq3A_221, %not3A_547 : i1
        %and3A_549 = arith.andi %or3A_546, %not3A_548 : i1
        %convert_element_type3A_550 = arith.extui %and3A_549 : i1 to i32
        %cond3A_551 = arith.constant 0 : i32
        %cond3A_552 = arith.cmpi ne, %convert_element_type3A_550, %cond3A_551 : i32
        scf.if %cond3A_552 {
          "tpu.trace_start"() <{level = 10 : i32, message = "ep_wait_out"}> : () -> ()
          %rem3A_624 = arith.constant 2 : i32
          %rem3A_625 = arith.remui %scan3A_217, %rem3A_624 : i32
          %mul3A_626 = arith.constant 8 : i32
          %mul3A_627 = arith.muli %mul3A_626, %add3A_240 : i32
          %dma_wait3A_628 = arith.constant 0 : i32
          %dma_wait3A_629 = arith.constant 0 : i32
          %dma_wait3A_630 = tpu.memref_slice %run_scoped3A_10[%rem3A_625, %dma_wait3A_628, %dma_wait3A_629] : memref<2x8x1024xf32, #tpu.memory_space<vmem>> -> memref<1x8x1024xf32, #tpu.memory_space<vmem>>
          %dma_wait3A_631 = tpu.memref_squeeze %dma_wait3A_630 : memref<1x8x1024xf32, #tpu.memory_space<vmem>> -> memref<8x1024xf32, #tpu.memory_space<vmem>>
          %dma_wait3A_632 = arith.constant 0 : i32
          %dma_wait3A_633 = tpu.memref_slice %arg4[%mul3A_627, %dma_wait3A_632] : memref<4096x1024xf32, #tpu.memory_space<hbm>> -> memref<8x1024xf32, #tpu.memory_space<hbm>>
          %dma_wait3A_634 = tpu.memref_slice %run_scoped3A_11[%rem3A_625] : memref<2x!tpu.dma_semaphore, #tpu.memory_space<semaphore_mem>> -> memref<1x!tpu.dma_semaphore, #tpu.memory_space<semaphore_mem>>
          %dma_wait3A_635 = tpu.memref_squeeze %dma_wait3A_634 : memref<1x!tpu.dma_semaphore, #tpu.memory_space<semaphore_mem>> -> memref<!tpu.dma_semaphore, #tpu.memory_space<semaphore_mem>>
          %dma_wait3A_636 = arith.constant 0 : i32
          %dma_wait3A_637 = tpu.memref_slice %arg4[%mul3A_627, %dma_wait3A_636] : memref<4096x1024xf32, #tpu.memory_space<hbm>> -> memref<8x1024xf32, #tpu.memory_space<hbm>>
          %dma_wait3A_638 = arith.constant 0 : i32
          %dma_wait3A_639 = arith.constant 0 : i32
          %dma_wait3A_640 = tpu.memref_slice %run_scoped3A_10[%rem3A_625, %dma_wait3A_638, %dma_wait3A_639] : memref<2x8x1024xf32, #tpu.memory_space<vmem>> -> memref<1x8x1024xf32, #tpu.memory_space<vmem>>
          %dma_wait3A_641 = tpu.memref_squeeze %dma_wait3A_640 : memref<1x8x1024xf32, #tpu.memory_space<vmem>> -> memref<8x1024xf32, #tpu.memory_space<vmem>>
          tpu.wait_dma2 semaphore(%dma_wait3A_635 : memref<!tpu.dma_semaphore, #tpu.memory_space<semaphore_mem>>) src(%dma_wait3A_641 : memref<8x1024xf32, #tpu.memory_space<vmem>>) dst(%dma_wait3A_637 : memref<8x1024xf32, #tpu.memory_space<hbm>>)
          "tpu.trace_stop"() : () -> ()
        } else {
        }
        %and3A_553 = arith.constant true
        %and3A_554 = arith.andi %and3A_549, %and3A_553 : i1
        %add3A_555 = arith.constant 1 : i32
        %add3A_556 = arith.addi %scan3A_217, %add3A_555 : i32
        %select_n3A_557 = arith.select %and3A_554, %add3A_556, %scan3A_217 : i32
        %ne3A_558 = arith.cmpi ne, %add3A_224, %add3A_256 : i32
        %or3A_559 = arith.constant false
        %or3A_560 = arith.ori %or3A_559, %ne3A_558 : i1
        %or3A_561 = arith.constant false
        %or3A_562 = arith.ori %or3A_560, %or3A_561 : i1
        %or3A_563 = arith.ori %or3A_562, %eq3A_223 : i1
        %add3A_564 = arith.constant 1 : i32
        %add3A_565 = arith.addi %scan3A_213, %add3A_564 : i32
        %select_n3A_566 = arith.select %or3A_563, %add3A_565, %scan3A_213 : i32
        %jit3A_567 = arith.constant 512 : i32
        %eq3A_568 = arith.constant 0 : i32
        %eq3A_569 = arith.cmpi eq, %jit3A_567, %eq3A_568 : i32
        %jit3A_570 = arith.constant 1 : i32
        %select_n3A_571 = arith.select %eq3A_569, %jit3A_570, %jit3A_567 : i32
        %rem3A_572 = arith.remsi %add3A_224, %select_n3A_571 : i32
        %ne3A_573 = arith.constant 0 : i32
        %ne3A_574 = arith.cmpi ne, %rem3A_572, %ne3A_573 : i32
        %lt3A_575 = arith.constant 0 : i32
        %lt3A_576 = arith.cmpi slt, %rem3A_572, %lt3A_575 : i32
        %lt3A_577 = arith.constant 0 : i32
        %lt3A_578 = arith.cmpi slt, %select_n3A_571, %lt3A_577 : i32
        %ne3A_579 = arith.xori %lt3A_576, %lt3A_578 : i1
        %and3A_580 = arith.andi %ne3A_579, %ne3A_574 : i1
        %add3A_581 = arith.addi %rem3A_572, %select_n3A_571 : i32
        %select_n3A_582 = arith.select %and3A_580, %add3A_581, %rem3A_572 : i32
        %jit3A_583 = arith.constant 512 : i32
        %eq3A_584 = arith.constant 0 : i32
        %eq3A_585 = arith.cmpi eq, %jit3A_583, %eq3A_584 : i32
        %jit3A_586 = arith.constant 1 : i32
        %select_n3A_587 = arith.select %eq3A_585, %jit3A_586, %jit3A_583 : i32
        %rem3A_588 = arith.remsi %add3A_256, %select_n3A_587 : i32
        %ne3A_589 = arith.constant 0 : i32
        %ne3A_590 = arith.cmpi ne, %rem3A_588, %ne3A_589 : i32
        %lt3A_591 = arith.constant 0 : i32
        %lt3A_592 = arith.cmpi slt, %rem3A_588, %lt3A_591 : i32
        %lt3A_593 = arith.constant 0 : i32
        %lt3A_594 = arith.cmpi slt, %select_n3A_587, %lt3A_593 : i32
        %ne3A_595 = arith.xori %lt3A_592, %lt3A_594 : i1
        %and3A_596 = arith.andi %ne3A_595, %ne3A_590 : i1
        %add3A_597 = arith.addi %rem3A_588, %select_n3A_587 : i32
        %select_n3A_598 = arith.select %and3A_596, %add3A_597, %rem3A_588 : i32
        %ne3A_599 = arith.cmpi ne, %select_n3A_582, %select_n3A_598 : i32
        %or3A_600 = arith.constant false
        %or3A_601 = arith.ori %or3A_600, %ne3A_599 : i1
        %or3A_602 = arith.constant false
        %or3A_603 = arith.ori %or3A_601, %or3A_602 : i1
        %or3A_604 = arith.ori %or3A_603, %eq3A_223 : i1
        %add3A_605 = arith.constant 1 : i32
        %add3A_606 = arith.addi %scan3A_215, %add3A_605 : i32
        %select_n3A_607 = arith.select %or3A_604, %add3A_606, %scan3A_215 : i32
        %select_n3A_608 = arith.constant true
        %select_n3A_609 = arith.constant 0 : i32
        %select_n3A_610 = arith.constant 1 : i32
        %select_n3A_611 = arith.select %select_n3A_608, %select_n3A_610, %select_n3A_609 : i32
        %eq3A_612 = arith.constant 1 : i32
        %eq3A_613 = arith.cmpi eq, %select_n3A_611, %eq3A_612 : i32
        %select_n3A_614 = arith.constant 0 : i32
        %select_n3A_615 = arith.select %eq3A_613, %select_n3A_614, %select_n3A_611 : i32
        %add3A_616 = arith.constant 1 : i32
        %add3A_617 = arith.addi %scan3A_218, %add3A_616 : i32
        %select_n3A_618 = arith.select %eq3A_613, %add3A_617, %scan3A_218 : i32
        %eq3A_619 = arith.constant 16 : i32
        %eq3A_620 = arith.cmpi eq, %select_n3A_618, %eq3A_619 : i32
        %select_n3A_621 = arith.constant 0 : i32
        %select_n3A_622 = arith.select %eq3A_620, %select_n3A_621, %select_n3A_618 : i32
        %scan3A_623 = arith.constant 0 : i32
        scf.yield %select_n3A_285, %select_n3A_566, %select_n3A_335, %select_n3A_607, %select_n3A_483, %select_n3A_557, %select_n3A_622, %scan3A_623 : i32, i32, i32, i32, i32, i32, i32, i32
      }
      %scan3A_130 = arith.constant 16 : i32
      %sub3A = arith.constant 1 : i32
      %sub3A_131 = arith.subi %scan3A_129#7, %sub3A : i32
      %select_n3A_132 = arith.constant true
      %select_n3A_133 = arith.select %select_n3A_132, %sub3A_131, %scan3A_129#7 : i32
      %eq3A_134 = arith.constant -1 : i32
      %eq3A_135 = arith.cmpi eq, %select_n3A_133, %eq3A_134 : i32
      %select_n3A_136 = arith.constant 0 : i32
      %select_n3A_137 = arith.select %eq3A_135, %select_n3A_136, %select_n3A_133 : i32
      %sub3A_138 = arith.constant 1 : i32
      %sub3A_139 = arith.subi %scan3A_129#6, %sub3A_138 : i32
      %select_n3A_140 = arith.select %eq3A_135, %sub3A_139, %scan3A_129#6 : i32
      %eq3A_141 = arith.constant -1 : i32
      %eq3A_142 = arith.cmpi eq, %select_n3A_140, %eq3A_141 : i32
      %select_n3A_143 = arith.constant 15 : i32
      %select_n3A_144 = arith.select %eq3A_142, %select_n3A_143, %select_n3A_140 : i32
      %add3A_145 = arith.addi %select_n3A_144, %mul3A_6 : i32
      %select_n3A_146 = arith.constant true
      %select_n3A_147 = arith.constant 0 : i32
      %select_n3A_148 = arith.constant -1 : i32
      %select_n3A_149 = arith.select %select_n3A_146, %select_n3A_148, %select_n3A_147 : i32
      %eq3A_150 = arith.constant -1 : i32
      %eq3A_151 = arith.cmpi eq, %select_n3A_149, %eq3A_150 : i32
      %select_n3A_152 = arith.constant 0 : i32
      %select_n3A_153 = arith.select %eq3A_151, %select_n3A_152, %select_n3A_149 : i32
      %sub3A_154 = arith.constant 1 : i32
      %sub3A_155 = arith.subi %select_n3A_144, %sub3A_154 : i32
      %select_n3A_156 = arith.select %eq3A_151, %sub3A_155, %select_n3A_144 : i32
      %eq3A_157 = arith.constant -1 : i32
      %eq3A_158 = arith.cmpi eq, %select_n3A_156, %eq3A_157 : i32
      %select_n3A_159 = arith.constant 15 : i32
      %select_n3A_160 = arith.select %eq3A_158, %select_n3A_159, %select_n3A_156 : i32
      %add3A_161 = arith.addi %select_n3A_160, %mul3A_6 : i32
      %select_n3A_162 = arith.constant true
      %select_n3A_163 = arith.constant 0 : i32
      %select_n3A_164 = arith.constant 1 : i32
      %select_n3A_165 = arith.select %select_n3A_162, %select_n3A_164, %select_n3A_163 : i32
      %eq3A_166 = arith.constant 1 : i32
      %eq3A_167 = arith.cmpi eq, %select_n3A_165, %eq3A_166 : i32
      %select_n3A_168 = arith.constant 0 : i32
      %select_n3A_169 = arith.select %eq3A_167, %select_n3A_168, %select_n3A_165 : i32
      %add3A_170 = arith.constant 1 : i32
      %add3A_171 = arith.addi %select_n3A_144, %add3A_170 : i32
      %select_n3A_172 = arith.select %eq3A_167, %add3A_171, %select_n3A_144 : i32
      %eq3A_173 = arith.constant 16 : i32
      %eq3A_174 = arith.cmpi eq, %select_n3A_172, %eq3A_173 : i32
      %select_n3A_175 = arith.constant 0 : i32
      %select_n3A_176 = arith.select %eq3A_174, %select_n3A_175, %select_n3A_172 : i32
      %add3A_177 = arith.addi %select_n3A_176, %mul3A_6 : i32
      %select_n3A_178 = arith.constant true
      %select_n3A_179 = arith.constant 0 : i32
      %select_n3A_180 = arith.constant 1 : i32
      %select_n3A_181 = arith.select %select_n3A_178, %select_n3A_180, %select_n3A_179 : i32
      %eq3A_182 = arith.constant 1 : i32
      %eq3A_183 = arith.cmpi eq, %select_n3A_181, %eq3A_182 : i32
      %select_n3A_184 = arith.constant 0 : i32
      %select_n3A_185 = arith.select %eq3A_183, %select_n3A_184, %select_n3A_181 : i32
      %add3A_186 = arith.constant 1 : i32
      %add3A_187 = arith.addi %select_n3A_176, %add3A_186 : i32
      %select_n3A_188 = arith.select %eq3A_183, %add3A_187, %select_n3A_176 : i32
      %eq3A_189 = arith.constant 16 : i32
      %eq3A_190 = arith.cmpi eq, %select_n3A_188, %eq3A_189 : i32
      %select_n3A_191 = arith.constant 0 : i32
      %select_n3A_192 = arith.select %eq3A_190, %select_n3A_191, %select_n3A_188 : i32
      %add3A_193 = arith.addi %select_n3A_192, %mul3A_6 : i32
      "tpu.trace_start"() <{level = 10 : i32, message = "ep_finalize"}> : () -> ()
      %rem3A_194 = arith.constant 2 : i32
      %rem3A_195 = arith.remui %scan3A_129#5, %rem3A_194 : i32
      %mul3A_196 = arith.constant 8 : i32
      %mul3A_197 = arith.muli %mul3A_196, %add3A_145 : i32
      %dma_wait3A = arith.constant 0 : i32
      %dma_wait3A_198 = arith.constant 0 : i32
      %dma_wait3A_199 = tpu.memref_slice %run_scoped3A_10[%rem3A_195, %dma_wait3A, %dma_wait3A_198] : memref<2x8x1024xf32, #tpu.memory_space<vmem>> -> memref<1x8x1024xf32, #tpu.memory_space<vmem>>
      %dma_wait3A_200 = tpu.memref_squeeze %dma_wait3A_199 : memref<1x8x1024xf32, #tpu.memory_space<vmem>> -> memref<8x1024xf32, #tpu.memory_space<vmem>>
      %dma_wait3A_201 = arith.constant 0 : i32
      %dma_wait3A_202 = tpu.memref_slice %arg4[%mul3A_197, %dma_wait3A_201] : memref<4096x1024xf32, #tpu.memory_space<hbm>> -> memref<8x1024xf32, #tpu.memory_space<hbm>>
      %dma_wait3A_203 = tpu.memref_slice %run_scoped3A_11[%rem3A_195] : memref<2x!tpu.dma_semaphore, #tpu.memory_space<semaphore_mem>> -> memref<1x!tpu.dma_semaphore, #tpu.memory_space<semaphore_mem>>
      %dma_wait3A_204 = tpu.memref_squeeze %dma_wait3A_203 : memref<1x!tpu.dma_semaphore, #tpu.memory_space<semaphore_mem>> -> memref<!tpu.dma_semaphore, #tpu.memory_space<semaphore_mem>>
      %dma_wait3A_205 = arith.constant 0 : i32
      %dma_wait3A_206 = tpu.memref_slice %arg4[%mul3A_197, %dma_wait3A_205] : memref<4096x1024xf32, #tpu.memory_space<hbm>> -> memref<8x1024xf32, #tpu.memory_space<hbm>>
      %dma_wait3A_207 = arith.constant 0 : i32
      %dma_wait3A_208 = arith.constant 0 : i32
      %dma_wait3A_209 = tpu.memref_slice %run_scoped3A_10[%rem3A_195, %dma_wait3A_207, %dma_wait3A_208] : memref<2x8x1024xf32, #tpu.memory_space<vmem>> -> memref<1x8x1024xf32, #tpu.memory_space<vmem>>
      %dma_wait3A_210 = tpu.memref_squeeze %dma_wait3A_209 : memref<1x8x1024xf32, #tpu.memory_space<vmem>> -> memref<8x1024xf32, #tpu.memory_space<vmem>>
      tpu.wait_dma2 semaphore(%dma_wait3A_204 : memref<!tpu.dma_semaphore, #tpu.memory_space<semaphore_mem>>) src(%dma_wait3A_210 : memref<8x1024xf32, #tpu.memory_space<vmem>>) dst(%dma_wait3A_206 : memref<8x1024xf32, #tpu.memory_space<hbm>>)
      "tpu.trace_stop"() : () -> ()
      tpu.yield
    }) : () -> ()
    return
  }
}

module attributes {stable_mosaic.version = 14 : i64} {
  func.func @_tc_body(%arg0: i32, %arg1: i32, %arg2: i32, %arg3: memref<1x2048x1024xf32, #tpu.memory_space<vmem>>, %arg4: memref<2048x1024xf32, #tpu.memory_space<vmem>>, %arg5: memref<1x2048x1024xf32, #tpu.memory_space<vmem>>) attributes {dimension_semantics = [#tpu.dimension_semantics<parallel>, #tpu.dimension_semantics<parallel>, #tpu.dimension_semantics<parallel>], iteration_bounds = array<i64: 2, 1, 3>, scalar_prefetch = 0 : i64, scratch_operands = 0 : i64, tpu.core_type = #tpu.core_type<tc>, window_params = [{transform_indices = @transform_0, window_bounds = array<i64: 1, 2048, 1024>}, {transform_indices = @transform_1, window_bounds = array<i64: 2048, 1024>}, {transform_indices = @transform_2, window_bounds = array<i64: 1, 2048, 1024>}]} {
    %get3A = arith.constant 0 : index
    %get3A_0 = arith.constant 0 : index
    %get3A_1 = arith.constant 0 : index
    %get3A_2 = vector.load %arg3[%get3A, %get3A_0, %get3A_1] : memref<1x2048x1024xf32, #tpu.memory_space<vmem>>, vector<1x2048x1024xf32>
    %get3A_3 = arith.constant 0 : index
    %get3A_4 = arith.constant 0 : index
    %get3A_5 = vector.load %arg4[%get3A_3, %get3A_4] : memref<2048x1024xf32, #tpu.memory_space<vmem>>, vector<2048x1024xf32>
    %broadcast_in_dim3A = vector.shape_cast %get3A_5 : vector<2048x1024xf32> to vector<1x2048x1024xf32>
    %add3A = arith.addf %get3A_2, %broadcast_in_dim3A : vector<1x2048x1024xf32>
    %swap3A = arith.constant 0 : index
    %swap3A_6 = arith.constant 0 : index
    %swap3A_7 = arith.constant 0 : index
    %swap3A_8 = vector.load %arg5[%swap3A, %swap3A_6, %swap3A_7] : memref<1x2048x1024xf32, #tpu.memory_space<vmem>>, vector<1x2048x1024xf32>
    tpu.vector_store %arg5[%swap3A, %swap3A_6, %swap3A_7], %add3A {strides = array<i32>} : memref<1x2048x1024xf32, #tpu.memory_space<vmem>>, vector<1x2048x1024xf32>,
    return
  }
  func.func @transform_0(%arg0: i32, %arg1: i32, %arg2: i32) -> (i32, i32, i32) {
    %c0_i32 = arith.constant 0 : i32
    return %arg2, %arg0, %arg1 : i32, i32, i32
  }
  func.func @transform_1(%arg0: i32, %arg1: i32, %arg2: i32) -> (i32, i32) {
    %c0_i32 = arith.constant 0 : i32
    return %arg0, %arg1 : i32, i32
  }
  func.func @transform_2(%arg0: i32, %arg1: i32, %arg2: i32) -> (i32, i32, i32) {
    %c0_i32 = arith.constant 0 : i32
    return %arg2, %arg0, %arg1 : i32, i32, i32
  }
}

</mosaic_0001>

<sc_bundles>
// kernel: kernel.4.cloned.1.call-start
scs
__scs_entry_jumppad:
0x0: {  	(pc) =	sbr.rel $0x88, $3  }
0x1: {  	(tag) =	ssettag $0x0;
	lr =	simm.s32 $0x1  }
0x2: {  	[smem:$0x3F9F] =	sst lr;
	_ =	strace $0xD0000000  }
0x3: {  	_ = 	snop  }
0x4: {  	_ = 	snop  }
0x5: {  	_ = 	snop  }
0x6: {  	_ = 	snop  }
0x7: {  	_ = 	snop  }
__scs_overlays_trampoline_lowered:
0x8: {  	[smem:$0x3FAE] =	sst s0  }
0x9: {  	[smem:$0x3FAF] =	sst s1  }
0xa: {  	[smem:$0x3FB0] =	sst s2  }
0xb: {  	[smem:$0x3FB1] =	sst s3  }
0xc: {  	[smem:$0x3FB2] =	sst s4  }
0xd: {  	[smem:$0x3FB3] =	sst s5  }
0xe: {  	[smem:$0x3FB4] =	sst s6  }
0xf: {  	[smem:$0x3FB5] =	sst s7  }
0x10: {  	[smem:$0x3FB6] =	sst s8  }
0x11: {  	[smem:$0x3FB7] =	sst s9;
	s0 =	simm.s32 @!p0 $0x0  }
0x12: {  	s1 =	sld [smem:$0x3F9D];
	s0 =	simm.s32 @p0 $0x1  }
0x13: {  	[smem:$0x3FB8] =	sst s0;
	s0 =	simm.s32 @!p1 $0x0  }
0x14: {  	s2 =	sld [smem:$0x3F9C];
	s0 =	simm.s32 @p1 $0x1  }
0x15: {  	[smem:$0x3FB9] =	sst s0;
	s0 =	simm.s32 @!p2 $0x0  }
0x16: {  	s3 =	sld [smem:$0x3FDB];
	s0 =	simm.s32 @p2 $0x1  }
0x17: {  	s4 =	simm.s32 $0x1BF5;
	[smem:$0x3FBB] =	sst s0  }
0x18: {  	s0 =	sld [smem:$0x3F9E];
	_ =	swait.ge [sflag:s4], $0x0  }
0x19: {  	s7 =	sld [smem:$0x3F9F]  }
0x1a: {  	s8 =	sadd.s32 $0xFFFFE003, lr  }
0x1b: {  	s9 =	sadd.s32 $0xFFFFFEF7, lr;
	s5 =	simm.s32 $0xFFFFFFFF;
	p2 =	slt.u32 s8, $0xFFFFF086  }
0x1c: {  	p1 =	slt.u32 s9, $0xF7A;
	s5 =	simm.s32 @!p2 $0x0  }
0x1d: {  	s5 =	simm.s32 @p1 $0x1;
	p0 =	seq.s32 s7, s2  }
0x1e: {  	s7 =	smul.u32 @!p0 $0xF7A, s2;
	p2 =	seq.s32 @!p0 s5, $0x0  }
0x1f: {  	s9 =	smul.u32 $0xF7A, s1;
	s8 =	simm.s32 @!p0 $0x1BF5;
	p2 =	por !p2, p0  }
0x20: {  	[sflag:s8] =	ssyncset.s32 @!p0 $0xFFFFF086;
	s6 =	sadd.s32 @!p0 s3, s7;
	s7 =	simm.s32 @!p0 $0x108  }
0x21: {  	s3 =	sadd.s32 s3, s9;
	s6 =	sadd.s32 @!p0 $0x88, s6;
	s7 =	simm.s32 @p2 $0x1082  }
0x22: {  	[simem:s7], [sflag:s8] =	dma.local @!p0 [hbm:s6], $0xF7A  }
0x23: {  	s9 =	sor.u32 $0xD0000000, s2;
	s6 =	simm.s32 $0x108;
	_ =	swait.ge @!p0 [sflag:s8], $0x0  }
0x24: {  	s3 =	sadd.s32 $0x88, s3;
	s6 =	simm.s32 @!p1 $0x1082;
	[sflag:s4] =	ssyncset.s32 $0xFFFFF086  }
0x25: {  	[simem:s6], [sflag:s4] =	dma.local [hbm:s3], $0xF7A  }
0x26: {  	[smem:$0x3F9F] =	sst s1;
	(tag) =	ssettag s2;
	_ =	strace s9  }
0x27: {  	s1 =	sld [smem:$0x3FAF]  }
0x28: {  	s2 =	sld [smem:$0x3FB0]  }
0x29: {  	s4 =	sld [smem:$0x3FB2]  }
0x2a: {  	p0 =	seq.s32 s5, $0x0;
	s5 =	sld [smem:$0x3FB3]  }
0x2b: {  	s6 =	sld [smem:$0x3FB4]  }
0x2c: {  	s7 =	sld [smem:$0x3FB5]  }
0x2d: {  	s3 =	simm.s32 $0x108;
	s8 =	sld [smem:$0x3FB6]  }
0x2e: {  	s3 =	simm.s32 @!p0 $0x1082;
	s9 =	sld [smem:$0x3FB7]  }
0x2f: {  	lr =	sadd.s32 s0, s3;
	s0 =	sld [smem:$0x3FAE]  }
0x30: {  	s3 =	sld [smem:$0x3FB1]  }
0x31: {  	[smem:$0x3FBA] =	sst s10  }
0x32: {  	s10 =	sld [smem:$0x3FB8];
	_ =	sdelay $0x3  }
0x33: {  	p0 =	seq.s32 s10, $0x1;
	s10 =	sld [smem:$0x3FBA];
	_ =	sdelay $0x3  }
0x34: {  	[smem:$0x3FBA] =	sst s10  }
0x35: {  	s10 =	sld [smem:$0x3FB9];
	_ =	sdelay $0x3  }
0x36: {  	p1 =	seq.s32 s10, $0x1;
	s10 =	sld [smem:$0x3FBA];
	_ =	sdelay $0x3  }
0x37: {  	[smem:$0x3FBA] =	sst s10  }
0x38: {  	s10 =	sld [smem:$0x3FBB]  }
0x39: {  	_ = 	snop;
	(pc) =	sbr.ind lr, $3  }
0x3a: {  	_ = 	snop  }
0x3b: {  	_ = 	snop  }
0x3c: {  	p2 =	seq.s32 s10, $0x1;
	s10 =	sld [smem:$0x3FBA]  }
0x3d: {  	_ =	shalt  }
0x3e: {  	_ =	shalt  }
0x3f: {  	_ =	shalt  }
0x40: {  	_ =	shalt  }
0x41: {  	_ =	shalt  }
0x42: {  	_ =	shalt  }
0x43: {  	_ =	shalt  }
0x44: {  	_ =	shalt  }
0x45: {  	_ =	shalt  }
0x46: {  	_ =	shalt  }
0x47: {  	_ =	shalt  }
0x48: {  	_ =	shalt  }
0x49: {  	_ =	shalt  }
0x4a: {  	_ =	shalt  }
0x4b: {  	_ =	shalt  }
0x4c: {  	_ =	shalt  }
0x4d: {  	_ =	shalt  }
0x4e: {  	_ =	shalt  }
0x4f: {  	_ =	shalt  }
0x50: {  	_ =	shalt  }
0x51: {  	_ =	shalt  }
0x52: {  	_ =	shalt  }
0x53: {  	_ =	shalt  }
0x54: {  	_ =	shalt  }
0x55: {  	_ =	shalt  }
0x56: {  	_ =	shalt  }
0x57: {  	_ =	shalt  }
0x58: {  	_ =	shalt  }
0x59: {  	_ =	shalt  }
0x5a: {  	_ =	shalt  }
0x5b: {  	_ =	shalt  }
0x5c: {  	_ =	shalt  }
0x5d: {  	_ =	shalt  }
0x5e: {  	_ =	shalt  }
0x5f: {  	_ =	shalt  }
0x60: {  	_ =	shalt  }
0x61: {  	_ =	shalt  }
0x62: {  	_ =	shalt  }
0x63: {  	_ =	shalt  }
0x64: {  	_ =	shalt  }
0x65: {  	_ =	shalt  }
0x66: {  	_ =	shalt  }
0x67: {  	_ =	shalt  }
0x68: {  	_ =	shalt  }
0x69: {  	_ =	shalt  }
0x6a: {  	_ =	shalt  }
0x6b: {  	_ =	shalt  }
0x6c: {  	_ =	shalt  }
0x6d: {  	_ =	shalt  }
0x6e: {  	_ =	shalt  }
0x6f: {  	_ =	shalt  }
0x70: {  	_ =	shalt  }
0x71: {  	_ =	shalt  }
0x72: {  	_ =	shalt  }
0x73: {  	_ =	shalt  }
0x74: {  	_ =	shalt  }
0x75: {  	_ =	shalt  }
0x76: {  	_ =	shalt  }
0x77: {  	_ =	shalt  }
0x78: {  	_ =	shalt  }
0x79: {  	_ =	shalt  }
0x7a: {  	_ =	shalt  }
0x7b: {  	_ =	shalt  }
0x7c: {  	_ =	shalt  }
0x7d: {  	_ =	shalt  }
0x7e: {  	_ =	shalt  }
0x7f: {  	_ =	shalt  }
0x80: {  	_ =	shalt  }
0x81: {  	_ =	shalt  }
0x82: {  	_ =	shalt  }
0x83: {  	_ =	shalt  }
0x84: {  	_ =	shalt  }
0x85: {  	_ =	shalt  }
0x86: {  	_ =	shalt  }
0x87: {  	_ =	shalt  }
.Lfunc_end0:
.L_simem_size_0:
called_computation_lowered:
.L_overlay_start_0:
0x88: {  	s2 =	sld [smem:$0x3FD9]  }
0x89: {  	s3 =	sld [smem:$0x3FFE];
	_ =	sdelay $0x1  }
0x8a: {  	s1 =	srdreg.scid  }
0x8b: {  	s0 =	sand.u32 $0x1, s1  }
0x8c: {  	s16 =	sshll.u32 s0, $0xA;
	s2 =	sadd.s32 s3, s2  }
0x8d: {  	s2 =	sadd.s32 s2, s16  }
0x8e: {  	[smem:$0x3FC6] =	sst s2  }
0x8f: {  	_ = 	snop  }
0x90: {  	(tm) =	ssettm $0x1  }
0x91: {  	s17 =	sld [smem:$0x3FFB];
	_ =	sdelay $0x3  }
0x92: {  	_ =	strace s17  }
0x93: {  	s2 =	sld [smem:$0x3FFC];
	_ =	sdelay $0x3  }
0x94: {  	_ =	strace s2  }
0x95: {  	s2 =	sld [smem:$0x3FFD];
	_ =	sdelay $0x3  }
0x96: {  	_ =	strace s2  }
0x97: {  	_ =	strace $0x8FFFFFFF  }
0x98: {  	s18 =	sld [smem:$0x3FDB];
	_ =	sdelay $0x1  }
0x99: {  	s19 =	simm.s32 $_scs_section_size  }
0x9a: {  	s4 =	simm.s32 $_size__tile_overlayer_lowered;
	s5 =	simm.s32 $_tile_overlayer_lowered  }
0x9b: {  	s22 =	simm.s32 $0x1BFF;
	s21 =	sshll.u32 s5, $0x1;
	s2 =	sadd.s32 s19, s18  }
0x9c: {  	s6 =	simm.s32 $0x0;
	s20 =	sshll.u32 s4, $0x1;
	s4 =	sadd.s32 s21, s2  }
0x9d: {  	[timem:s6], [sflag:s22] =	dma.local [hbm:s4], s20  }
0x9e: {  	_ =	swait.ge [sflag:s22], s20  }
0x9f: {  	s3 =	ssub.s32 $0x0, s20;
	[sflag:s22] =	ssyncset.done $0x0  }
0xa0: {  	[sflag:s22] =	ssyncadd.s32 s3;
	_ =	sdelay $0x1  }
0xa1: {  	s23 =	simm.s32 $0x1B8B  }
0xa2: {  	_ =	swait.ge [sflag:s23], $0x1  }
0xa3: {  	[sflag:s23] =	ssyncset.done $0x0  }
0xa4: {  	s25 =	simm.s32 $0x1B8E;
	s24 =	sld [smem:$0x3FFE];
	[sflag:s23] =	ssyncadd.s32 $0xFFFFFFFF  }
0xa5: {  	s26 =	simm.s32 $execute0_lowered;
	[smem:$0x3FD2] =	sst s25  }
0xa6: {  	s4 =	sshll.u32 s26, $0x1;
	_ =	strace $0x80000046;
	[dreg:$0x1] =	wrdreg $0xFFFFFFFF  }
0xa7: {  	s28 =	simm.s32 $_size_execute0_lowered;
	s2 =	sadd.s32 s2, s4;
	[dreg:$0x0] =	wrdreg $0x0  }
0xa8: {  	s4 =	sshll.u32 s28, $0x1;
	[dreg:$0x2] =	wrdreg s2  }
0xa9: {  	[dreg:$0x3] =	wrdreg s4  }
0xaa: {  	[dreg:$0x4] =	wrdreg $0xC0  }
0xab: {  	_ =	task [dreg:s6], $0x5FFFF  }
0xac: {  	[dreg:$0x1] =	wrdreg $0xFFFFFFFF  }
0xad: {  	[dreg:$0x0] =	wrdreg $0x60  }
0xae: {  	[dreg:$0x2] =	wrdreg s24  }
0xaf: {  	[dreg:$0x3] =	wrdreg $0x9  }
0xb0: {  	_ =	task.clear_ibuf [dreg:s6], $0x4FFFF;
	_ =	strace $0x90000046  }
0xb1: {  	s29 =	simm.s32 $0x9;
	_ =	strace $0x80000051  }
0xb2: {  	_ =	swait.ge [sflag:s29], $0x1  }
0xb3: {  	[sflag:s29] =	ssyncadd.s32 $0xFFFFFFFF  }
0xb4: {  	_ =	strace $0x90000051  }
0xb5: {  	_ =	sfence  }
0xb6: {  	s30 =	sld [smem:$0x0];
	_ =	sdelay $0x2  }
0xb7: {  	s31 =	sshll.u32 s1, $0xD;
	s1 =	sshrl.u32 s1, $0x2  }
0xb8: {  	s3 =	sand.u32 $0x4000, s31;
	s1 =	sadd.s32 s1, s30  }
0xb9: {  	s0 =	sor.u32 s3, s0;
	s1 =	sshll.u32 s1, $0x11  }
0xba: {  	s0 =	sor.u32 s1, s0  }
0xbb: {  	s0 =	sadd.s32 $0x8F2B, s0  }
0xbc: {  	[sflag:s0] =	ssyncadd.remote.s32 $0x1  }
0xbd: {  	_ =	sfence.sel $0xFFFF  }
0xbe: {  	[dreg:$0x0] =	wrdreg $0xFFFFFFFF;
	(pc) =	sbr.abs _section_cstart, $3  }
0xbf: {  	[dreg:$0x1] =	wrdreg $0xFFFFFFFF  }
0xc0: {  	_ =	task.clear_ibuf [dreg:s6], $0x2FFFF;
	_ =	strace $0x9FFFFFFF  }
0xc1: {  	(tm) =	ssettm $0x7FFFFFFF  }
tec
execute0_lowered:
.L_overlay_start_1:
0x0: {  	(tag) =	ssettag $0x1  }
0x1: {  	s0 =	rddreg [dreg:$0x0];
	s1 =	simm.s32 $0x0  }
0x2: {  	s2 =	srdreg.scid;
	s30 =	stileid.u32;
	s10 =	simm.s32 $0x4000  }
0x3: {  	s11 =	simm.s32 $0x6;
	s12 =	simm.s32 $0x0;
	[smem:$0x7FF] =	sst s1  }
0x4: {  	s3 =	sadd.s32 $0x81400, s0;
	s4 =	sadd.s32 $0x1400, s0;
	s5 =	sand.u32 $0x1, s2  }
0x5: {  	_ =	strace $0x80000047;
	s6 =	ssub.s32 $0x2, s5;
	s7 =	sshll.u32 s5, $0x4  }
0x6: {  	s5 =	sadd.s32 $0x101400, s0;
	s31 =	sshrl.u32 s6, $0x1;
	s7 =	sor.u32 s30, s7  }
0x7: {  	s0 =	ssub.s32 s6, s31;
	s6 =	sshll.u32 s7, $0x4;
	s8 =	sshll.u32 s7, $0xE  }
0x8: {  	s7 =	sadd.s32 s3, s8;
	s8 =	sadd.s32 s4, s8;
	s9 =	smax.u32 s0, $0x1  }
.LBB2_1:
0x9: {  	_ =	strace $0x80000048  }
0xa: {  	s13 =	simm.s32 $0x0;
	s14 =	simm.s32 $0x0;
	s15 =	simm.s32 $0x0  }
0xb: {  	[tilespmem:s1], [sflag:$0x1] =	stream.linear.gather [hbm4b:s7+s1], $0x2000, $0x200038;
	[tilespmem:$0xC000] =	vst v63  }
0xc: {  	s16 =	simm.s32 $0x0;
	s17 =	simm.s32 $0x1;
	s18 =	simm.s32 $0x0  }
0xd: {  	[tilespmem:s10], [sflag:$0x3] =	stream.linear.gather [hbm4b:s8+s1], $0x2000, $0x200038;
	[tilespmem:$0xC000] =	vst v63  }
0xe: {  	s19 =	simm.s32 $0x1;
	s20 =	simm.s32 $0x0;
	_ =	strace $0x90000048  }
.LBB2_2:
0xf: {  	s0 =	smov.u32 s13;
	s13 =	sadd.s32 $0x1, s13  }
0x10: {  	p0 =	seq.s32 s13, $0x10  }
0x11: {  	s13 =	simm.s32 @p0 $0x0  }
0x12: {  	p2 =	sne.s32 s20, $0xF;
	p1 =	sne.s32 s0, s13  }
0x13: {  	p6 =	por !p2, !p1  }
0x14: {  	s22 =	sadd.s32 s6, s13;
	p3 =	por !p6, !p6  }
0x15: {  	s21 =	sadd.s32 s6, s0;
	_ =	strace @p3 $0x80000049;
	s24 =	sshll.u32 @p3 s22, $0xA  }
0x16: {  	s23 =	sand.u32 @p3 $0x1, s19;
	s26 =	simm.s32 @p3 $0x0;
	s24 =	sand.u32 @p3 $0x1FFFFC00, s24  }
0x17: {  	s25 =	sshll.u32 @p3 s23, $0xD;
	s23 =	sadd.s32 @p3 $0x1, s23;
	s24 =	sadd.s32 @p3 s3, s24  }
0x18: {  	[tilespmem:s25], [sflag:s23] =	stream.linear.gather @p3 [hbm4b:s24+s26], $0x2000, $0x200038;
	[tilespmem:$0xC000] =	vst v63  }
0x19: {  	s22 =	sand.u32 $0x1FF, s22;
	s23 =	sand.u32 $0x1FF, s21  }
0x1a: {  	p0 =	sne.s32 s23, s22  }
0x1b: {  	s2 =	sshll.u32 s16, $0xD;
	s29 =	simm.s32 $0x0;
	p2 =	por !p2, !p0  }
0x1c: {  	s31 =	simm.s32 $0x80;
	s24 =	sadd.s32 $0x1FF, s0;
	p4 =	por !p2, !p2  }
0x1d: {  	_ =	strace @p3 $0x90000049;
	p2 =	seq.s32 s0, $0x0;
	s25 =	sand.u32 @p4 $0x1, s17  }
0x1e: {  	_ =	strace @p4 $0x8000004A;
	s22 =	sshll.u32 @p4 s22, $0xA;
	s26 =	simm.s32 @p4 $0x0  }
0x1f: {  	s24 =	simm.s32 @p2 $0xF;
	p2 =	seq.s32 s20, $0x0;
	s0 =	sshll.u32 @p4 s25, $0xD  }
0x20: {  	s25 =	sadd.s32 @p4 $0x3, s25;
	s22 =	sadd.s32 @p4 s4, s22;
	s0 =	sor.u32 @p4 $0x4000, s0  }
0x21: {  	[tilespmem:s0], [sflag:s25] =	stream.linear.gather @p4 [hbm4b:s22+s26], $0x2000, $0x200038;
	[tilespmem:$0xC000] =	vst v63  }
0x22: {  	s22 =	sand.u32 $0x1, s18;
	s25 =	sadd.s32 s6, s24;
	_ =	strace @p4 $0x9000004A  }
0x23: {  	s26 =	sshll.u32 s18, $0xD;
	s0 =	sadd.s32 $0x1, s22;
	_ =	strace $0x8000004B  }
0x24: {  	s22 =	sand.u32 $0x1FF, s25;
	s24 =	sand.u32 $0x2000, s26;
	_ =	swait.ge [sflag:s0], $0x2000  }
0x25: {  	s25 =	sand.u32 $0x2000, s2;
	p5 =	seq.s32 @!p2 s23, s22;
	[sflag:s0] =	ssyncset.done $0x0  }
0x26: {  	s22 =	simm.s32 $0x1;
	p5 =	por p2, !p5;
	[sflag:s0] =	ssyncadd.s32 $0xFFFFE000  }
0x27: {  	s25 =	sor.u32 $0x4000, s25;
	s0 =	sand.u32 @p5 $0x1, s16;
	_ =	strace $0x9000004B  }
0x28: {  	s22 =	simm.s32 @!p4 $0x0;
	s0 =	sadd.s32 @p5 $0x3, s0;
	_ =	strace @p5 $0x8000004C  }
0x29: {  	v2 =	vmov s25;
	s17 =	sadd.s32 s22, s17;
	s22 =	sand.u32 $0x1, s15;
	_ =	swait.ge @p5 [sflag:s0], $0x2000  }
0x2a: {  	s28 =	sand.u32 $0x1C00, s29;
	v1 =	vmov s24;
	s26 =	sshll.u32 s22, $0xD;
	[sflag:s0] =	ssyncset.done @p5 $0x0  }
0x2b: {  	s23 =	sor.u32 $0x8000, s26;
	[sflag:s0] =	ssyncadd.s32 @p5 $0xFFFFE000;
	s0 =	simm.s32 $0x1  }
0x2c: {  	s26 =	sand.u32 $0x70, s29;
	_ =	strace @p5 $0x9000004C;
	s0 =	simm.s32 @!p3 $0x0  }
0x2d: {  	v0 =	vmov s23;
	s30 =	sor.u32 s26, s28;
	s19 =	sadd.s32 s0, s19;
	_ =	strace $0x8000004D  }
.LBB2_3:
0x2e: {  	p3 =	sne.s32 s31, $0x1F80;
	v3 =	vld.idx.msk [tilespmem:v2+s30+$0x0 ss:$0x1], $0xffff  }
0x2f: {  	v4 =	vld.idx.msk [tilespmem:v1+s30+$0x0 ss:$0x1], $0xffff;
	_ =	sdelay $0x3  }
.Ltmp0:
0x30: {  	(pc) =	sbr.rel @p3 .LBB2_3-.Ltmp0, $4  }
0x31: {  	_ = 	snop  }
0x32: {  	s29 =	sadd.s32 $0x10, s29;
	v3 =	vadd.f32 v3, v4  }
0x33: {  	s2 =	sand.u32 $0x1C00, s31;
	s0 =	sand.u32 $0x70, s29  }
0x34: {  	s31 =	sadd.s32 $0x80, s31;
	[tilespmem:v0+s30+$0x0 ss:$0x1] =	vst.idx.msk $0xffff, v3;
	s30 =	sor.u32 s0, s2  }
0x35: {  	_ =	sdelay $0x3  }
0x36: {  	v2 =	vld.idx.msk [tilespmem:v2+s30+$0x0 ss:$0x1], $0xffff  }
0x37: {  	v1 =	vld.idx.msk [tilespmem:v1+s30+$0x0 ss:$0x1], $0xffff;
	_ =	sdelay $0x4  }
0x38: {  	s0 =	sor.u32 s26, s28;
	v1 =	vadd.f32 v2, v1  }
0x39: {  	s26 =	sor.u32 $0x80, s0  }
0x3a: {  	s0 =	sadd.s32 s26, s25;
	[tilespmem:v0+s30+$0x0 ss:$0x1] =	vst.idx.msk $0xffff, v1  }
0x3b: {  	s2 =	sadd.s32 s26, s24;
	v0 =	vld [tilespmem:s0+$0x0]  }
0x3c: {  	v1 =	vld [tilespmem:s2+$0x0];
	_ =	sdelay $0x2  }
0x3d: {  	s28 =	simm.s32 $0x10;
	s2 =	simm.s32 $0x80  }
0x3e: {  	s31 =	sand.u32 $0x70, s28;
	s0 =	sand.u32 $0x1C00, s2  }
0x3f: {  	s29 =	simm.s32 $0x100;
	s30 =	sor.u32 s31, s0;
	v0 =	vadd.f32 v0, v1  }
.LBB2_5:
0x40: {  	p3 =	sne.s32 s29, $0x1F80;
	s0 =	sadd.s32 s26, s23;
	s26 =	sor.u32 $0x80, s30  }
0x41: {  	s2 =	sadd.s32 s26, s25;
	[tilespmem:s0+$0x0] =	vst v0  }
0x42: {  	s0 =	sadd.s32 s26, s24;
	v0 =	vld [tilespmem:s2+$0x0]  }
0x43: {  	v1 =	vld [tilespmem:s0+$0x0]  }
.Ltmp1:
0x44: {  	(pc) =	sbr.rel @p3 .LBB2_5-.Ltmp1, $4  }
0x45: {  	_ = 	snop  }
0x46: {  	s28 =	sadd.s32 $0x10, s28  }
0x47: {  	s2 =	sand.u32 $0x1C00, s29;
	s0 =	sand.u32 $0x70, s28  }
0x48: {  	s29 =	sadd.s32 $0x80, s29;
	s30 =	sor.u32 s0, s2;
	v0 =	vadd.f32 v0, v1  }
0x49: {  	s0 =	sor.u32 $0x80, s30;
	s2 =	sadd.s32 s26, s23  }
0x4a: {  	s26 =	sadd.s32 s0, s25;
	[tilespmem:s2+$0x0] =	vst v0  }
0x4b: {  	s2 =	sadd.s32 s0, s24;
	v0 =	vld [tilespmem:s26+$0x0]  }
0x4c: {  	v1 =	vld [tilespmem:s2+$0x0];
	_ =	sdelay $0x2  }
0x4d: {  	s2 =	simm.s32 $0x0  }
0x4e: {  	s26 =	sand.u32 $0x70, s2;
	s2 =	sand.u32 $0x1C00, s2  }
0x4f: {  	s26 =	sor.u32 s26, s2;
	v0 =	vadd.f32 v0, v1  }
0x50: {  	s0 =	sadd.s32 s0, s23;
	s29 =	sor.u32 $0x100, s26  }
0x51: {  	[tilespmem:s0+$0x0] =	vst v0;
	s0 =	sadd.s32 s29, s25  }
0x52: {  	s2 =	sadd.s32 s29, s24;
	v0 =	vld [tilespmem:s0+$0x0]  }
0x53: {  	v1 =	vld [tilespmem:s2+$0x0];
	_ =	sdelay $0x2  }
0x54: {  	s30 =	simm.s32 $0x10;
	s0 =	simm.s32 $0x80  }
0x55: {  	s2 =	sand.u32 $0x70, s30;
	s28 =	sand.u32 $0x1C00, s0  }
0x56: {  	s31 =	simm.s32 $0x100;
	s0 =	sor.u32 s2, s28;
	v0 =	vadd.f32 v0, v1  }
.LBB2_7:
0x57: {  	p3 =	sne.s32 s31, $0x1F80;
	s2 =	sadd.s32 s29, s23;
	s29 =	sor.u32 $0x100, s0  }
0x58: {  	s0 =	sadd.s32 s29, s25;
	[tilespmem:s2+$0x0] =	vst v0  }
0x59: {  	s2 =	sadd.s32 s29, s24;
	v0 =	vld [tilespmem:s0+$0x0]  }
0x5a: {  	v1 =	vld [tilespmem:s2+$0x0]  }
.Ltmp2:
0x5b: {  	(pc) =	sbr.rel @p3 .LBB2_7-.Ltmp2, $4  }
0x5c: {  	_ = 	snop  }
0x5d: {  	s30 =	sadd.s32 $0x10, s30  }
0x5e: {  	s0 =	sand.u32 $0x70, s30;
	s2 =	sand.u32 $0x1C00, s31  }
0x5f: {  	s31 =	sadd.s32 $0x80, s31;
	s0 =	sor.u32 s0, s2;
	v0 =	vadd.f32 v0, v1  }
0x60: {  	s0 =	sor.u32 $0x100, s0;
	s2 =	sadd.s32 s29, s23  }
0x61: {  	s29 =	sadd.s32 s0, s25;
	[tilespmem:s2+$0x0] =	vst v0  }
0x62: {  	s31 =	sadd.s32 s0, s24;
	v0 =	vld [tilespmem:s29+$0x0]  }
0x63: {  	v1 =	vld [tilespmem:s31+$0x0];
	_ =	sdelay $0x4  }
0x64: {  	v0 =	vadd.f32 v0, v1  }
0x65: {  	s26 =	sor.u32 $0x180, s26;
	s0 =	sadd.s32 s0, s23  }
0x66: {  	s2 =	sadd.s32 s26, s25;
	[tilespmem:s0+$0x0] =	vst v0  }
0x67: {  	s30 =	sadd.s32 s26, s24;
	v0 =	vld [tilespmem:s2+$0x0]  }
0x68: {  	v1 =	vld [tilespmem:s30+$0x0];
	_ =	sdelay $0x2  }
0x69: {  	s29 =	simm.s32 $0x10  }
0x6a: {  	s31 =	sand.u32 $0x70, s29  }
0x6b: {  	s0 =	sor.u32 s31, s28;
	s28 =	simm.s32 $0x100;
	v0 =	vadd.f32 v0, v1  }
.LBB2_9:
0x6c: {  	p3 =	sne.s32 s28, $0x1F80;
	s2 =	sadd.s32 s26, s23;
	s26 =	sor.u32 $0x180, s0  }
0x6d: {  	s0 =	sadd.s32 s26, s25;
	[tilespmem:s2+$0x0] =	vst v0  }
0x6e: {  	s2 =	sadd.s32 s26, s24;
	v0 =	vld [tilespmem:s0+$0x0]  }
0x6f: {  	v1 =	vld [tilespmem:s2+$0x0]  }
.Ltmp3:
0x70: {  	(pc) =	sbr.rel @p3 .LBB2_9-.Ltmp3, $4  }
0x71: {  	_ = 	snop  }
0x72: {  	s29 =	sadd.s32 $0x10, s29  }
0x73: {  	s0 =	sand.u32 $0x70, s29;
	s2 =	sand.u32 $0x1C00, s28  }
0x74: {  	s28 =	sadd.s32 $0x80, s28;
	s0 =	sor.u32 s0, s2;
	v0 =	vadd.f32 v0, v1  }
0x75: {  	s0 =	sor.u32 $0x180, s0;
	s2 =	sadd.s32 s26, s23  }
0x76: {  	s26 =	sadd.s32 s0, s25;
	[tilespmem:s2+$0x0] =	vst v0  }
0x77: {  	s2 =	sadd.s32 s0, s24;
	v0 =	vld [tilespmem:s26+$0x0]  }
0x78: {  	v1 =	vld [tilespmem:s2+$0x0];
	_ =	sdelay $0x2  }
0x79: {  	s2 =	simm.s32 $0x0  }
0x7a: {  	s26 =	sand.u32 $0x70, s2;
	s2 =	sand.u32 $0x1C00, s2  }
0x7b: {  	s26 =	sor.u32 s26, s2;
	v0 =	vadd.f32 v0, v1  }
0x7c: {  	s0 =	sadd.s32 s0, s23;
	s29 =	sor.u32 $0x200, s26  }
0x7d: {  	[tilespmem:s0+$0x0] =	vst v0;
	s0 =	sadd.s32 s29, s25  }
0x7e: {  	s2 =	sadd.s32 s29, s24;
	v0 =	vld [tilespmem:s0+$0x0]  }
0x7f: {  	v1 =	vld [tilespmem:s2+$0x0];
	_ =	sdelay $0x2  }
0x80: {  	s30 =	simm.s32 $0x10;
	s0 =	simm.s32 $0x80  }
0x81: {  	s2 =	sand.u32 $0x70, s30;
	s28 =	sand.u32 $0x1C00, s0  }
0x82: {  	s31 =	simm.s32 $0x100;
	s0 =	sor.u32 s2, s28;
	v0 =	vadd.f32 v0, v1  }
.LBB2_11:
0x83: {  	p3 =	sne.s32 s31, $0x1F80;
	s2 =	sadd.s32 s29, s23;
	s29 =	sor.u32 $0x200, s0  }
0x84: {  	s0 =	sadd.s32 s29, s25;
	[tilespmem:s2+$0x0] =	vst v0  }
0x85: {  	s2 =	sadd.s32 s29, s24;
	v0 =	vld [tilespmem:s0+$0x0]  }
0x86: {  	v1 =	vld [tilespmem:s2+$0x0]  }
.Ltmp4:
0x87: {  	(pc) =	sbr.rel @p3 .LBB2_11-.Ltmp4, $4  }
0x88: {  	_ = 	snop  }
0x89: {  	s30 =	sadd.s32 $0x10, s30  }
0x8a: {  	s0 =	sand.u32 $0x70, s30;
	s2 =	sand.u32 $0x1C00, s31  }
0x8b: {  	s31 =	sadd.s32 $0x80, s31;
	s0 =	sor.u32 s0, s2;
	v0 =	vadd.f32 v0, v1  }
0x8c: {  	s0 =	sor.u32 $0x200, s0;
	s2 =	sadd.s32 s29, s23  }
0x8d: {  	s29 =	sadd.s32 s0, s25;
	[tilespmem:s2+$0x0] =	vst v0  }
0x8e: {  	s31 =	sadd.s32 s0, s24;
	v0 =	vld [tilespmem:s29+$0x0]  }
0x8f: {  	v1 =	vld [tilespmem:s31+$0x0];
	_ =	sdelay $0x4  }
0x90: {  	v0 =	vadd.f32 v0, v1  }
0x91: {  	s26 =	sor.u32 $0x280, s26;
	s0 =	sadd.s32 s0, s23  }
0x92: {  	s2 =	sadd.s32 s26, s25;
	[tilespmem:s0+$0x0] =	vst v0  }
0x93: {  	s30 =	sadd.s32 s26, s24;
	v0 =	vld [tilespmem:s2+$0x0]  }
0x94: {  	v1 =	vld [tilespmem:s30+$0x0];
	_ =	sdelay $0x2  }
0x95: {  	s29 =	simm.s32 $0x10  }
0x96: {  	s31 =	sand.u32 $0x70, s29  }
0x97: {  	s0 =	sor.u32 s31, s28;
	s28 =	simm.s32 $0x100;
	v0 =	vadd.f32 v0, v1  }
.LBB2_13:
0x98: {  	p3 =	sne.s32 s28, $0x1F80;
	s2 =	sadd.s32 s26, s23;
	s26 =	sor.u32 $0x280, s0  }
0x99: {  	s0 =	sadd.s32 s26, s25;
	[tilespmem:s2+$0x0] =	vst v0  }
0x9a: {  	s2 =	sadd.s32 s26, s24;
	v0 =	vld [tilespmem:s0+$0x0]  }
0x9b: {  	v1 =	vld [tilespmem:s2+$0x0]  }
.Ltmp5:
0x9c: {  	(pc) =	sbr.rel @p3 .LBB2_13-.Ltmp5, $4  }
0x9d: {  	_ = 	snop  }
0x9e: {  	s29 =	sadd.s32 $0x10, s29  }
0x9f: {  	s0 =	sand.u32 $0x70, s29;
	s2 =	sand.u32 $0x1C00, s28  }
0xa0: {  	s28 =	sadd.s32 $0x80, s28;
	s0 =	sor.u32 s0, s2;
	v0 =	vadd.f32 v0, v1  }
0xa1: {  	s0 =	sor.u32 $0x280, s0;
	s2 =	sadd.s32 s26, s23  }
0xa2: {  	s26 =	sadd.s32 s0, s25;
	[tilespmem:s2+$0x0] =	vst v0  }
0xa3: {  	s2 =	sadd.s32 s0, s24;
	v0 =	vld [tilespmem:s26+$0x0]  }
0xa4: {  	v1 =	vld [tilespmem:s2+$0x0];
	_ =	sdelay $0x2  }
0xa5: {  	s2 =	simm.s32 $0x0  }
0xa6: {  	s26 =	sand.u32 $0x70, s2;
	s2 =	sand.u32 $0x1C00, s2  }
0xa7: {  	s26 =	sor.u32 s26, s2;
	v0 =	vadd.f32 v0, v1  }
0xa8: {  	s0 =	sadd.s32 s0, s23;
	s29 =	sor.u32 $0x300, s26  }
0xa9: {  	[tilespmem:s0+$0x0] =	vst v0;
	s0 =	sadd.s32 s29, s25  }
0xaa: {  	s2 =	sadd.s32 s29, s24;
	v0 =	vld [tilespmem:s0+$0x0]  }
0xab: {  	v1 =	vld [tilespmem:s2+$0x0];
	_ =	sdelay $0x2  }
0xac: {  	s30 =	simm.s32 $0x10;
	s0 =	simm.s32 $0x80  }
0xad: {  	s2 =	sand.u32 $0x70, s30;
	s28 =	sand.u32 $0x1C00, s0  }
0xae: {  	s31 =	simm.s32 $0x100;
	s0 =	sor.u32 s2, s28;
	v0 =	vadd.f32 v0, v1  }
.LBB2_15:
0xaf: {  	p3 =	sne.s32 s31, $0x1F80;
	s2 =	sadd.s32 s29, s23;
	s29 =	sor.u32 $0x300, s0  }
0xb0: {  	s0 =	sadd.s32 s29, s25;
	[tilespmem:s2+$0x0] =	vst v0  }
0xb1: {  	s2 =	sadd.s32 s29, s24;
	v0 =	vld [tilespmem:s0+$0x0]  }
0xb2: {  	v1 =	vld [tilespmem:s2+$0x0]  }
.Ltmp6:
0xb3: {  	(pc) =	sbr.rel @p3 .LBB2_15-.Ltmp6, $4  }
0xb4: {  	_ = 	snop  }
0xb5: {  	s30 =	sadd.s32 $0x10, s30  }
0xb6: {  	s0 =	sand.u32 $0x70, s30;
	s2 =	sand.u32 $0x1C00, s31  }
0xb7: {  	s31 =	sadd.s32 $0x80, s31;
	s0 =	sor.u32 s0, s2;
	v0 =	vadd.f32 v0, v1  }
0xb8: {  	s0 =	sor.u32 $0x300, s0;
	s2 =	sadd.s32 s29, s23  }
0xb9: {  	s29 =	sadd.s32 s0, s25;
	[tilespmem:s2+$0x0] =	vst v0  }
0xba: {  	s31 =	sadd.s32 s0, s24;
	v0 =	vld [tilespmem:s29+$0x0]  }
0xbb: {  	v1 =	vld [tilespmem:s31+$0x0];
	_ =	sdelay $0x4  }
0xbc: {  	v0 =	vadd.f32 v0, v1  }
0xbd: {  	s26 =	sor.u32 $0x380, s26;
	s0 =	sadd.s32 s0, s23  }
0xbe: {  	s2 =	sadd.s32 s26, s25;
	[tilespmem:s0+$0x0] =	vst v0  }
0xbf: {  	s30 =	sadd.s32 s26, s24;
	v0 =	vld [tilespmem:s2+$0x0]  }
0xc0: {  	v1 =	vld [tilespmem:s30+$0x0];
	_ =	sdelay $0x2  }
0xc1: {  	s29 =	simm.s32 $0x10  }
0xc2: {  	s31 =	sand.u32 $0x70, s29  }
0xc3: {  	s0 =	sor.u32 s31, s28;
	s28 =	simm.s32 $0x100;
	v0 =	vadd.f32 v0, v1  }
.LBB2_17:
0xc4: {  	p3 =	sne.s32 s28, $0x1F80;
	s2 =	sadd.s32 s26, s23;
	s26 =	sor.u32 $0x380, s0  }
0xc5: {  	s0 =	sadd.s32 s26, s25;
	[tilespmem:s2+$0x0] =	vst v0  }
0xc6: {  	s2 =	sadd.s32 s26, s24;
	v0 =	vld [tilespmem:s0+$0x0]  }
0xc7: {  	v1 =	vld [tilespmem:s2+$0x0]  }
.Ltmp7:
0xc8: {  	(pc) =	sbr.rel @p3 .LBB2_17-.Ltmp7, $4  }
0xc9: {  	_ = 	snop  }
0xca: {  	s29 =	sadd.s32 $0x10, s29  }
0xcb: {  	s0 =	sand.u32 $0x70, s29;
	s2 =	sand.u32 $0x1C00, s28  }
0xcc: {  	s28 =	sadd.s32 $0x80, s28;
	s0 =	sor.u32 s0, s2;
	v0 =	vadd.f32 v0, v1  }
0xcd: {  	s0 =	sor.u32 $0x380, s0;
	s2 =	sadd.s32 s26, s23  }
0xce: {  	s25 =	sadd.s32 s0, s25;
	[tilespmem:s2+$0x0] =	vst v0  }
0xcf: {  	s31 =	sadd.s32 s0, s24;
	v0 =	vld [tilespmem:s25+$0x0]  }
0xd0: {  	v1 =	vld [tilespmem:s31+$0x0];
	_ =	sdelay $0x4  }
0xd1: {  	p3 =	seq.s32 s20, $0xF;
	v0 =	vadd.f32 v0, v1  }
0xd2: {  	s0 =	sadd.s32 s0, s23;
	p1 =	por p3, p1  }
0xd3: {  	[tilespmem:s0+$0x0] =	vst v0;
	s0 =	sshll.u32 @p1 s21, $0xA  }
0xd4: {  	s2 =	sadd.s32 @p1 $0x5, s22;
	_ =	strace $0x9000004D;
	s0 =	sand.u32 @p1 $0x1FFFFC00, s0  }
0xd5: {  	s21 =	simm.s32 @p1 $0x0;
	_ =	strace @p1 $0x8000004E;
	s0 =	sadd.s32 @p1 s5, s0  }
0xd6: {  	[hbm4b:s0+s21] =	stream.linear.scatter @p1 [tilespmem:s23], [sflag:s2], $0x2000, $0x200038;
	[tilespmem:$0xC000] =	vst v63  }
0xd7: {  	p0 =	por p3, p0;
	s0 =	sand.u32 @!p2 $0x1, s14;
	s2 =	simm.s32 $0x1  }
0xd8: {  	s21 =	simm.s32 $0x1;
	_ =	strace @p1 $0x9000004E;
	s0 =	sadd.s32 @!p2 $0x5, s0  }
0xd9: {  	s2 =	simm.s32 @!p1 $0x0;
	p1 =	sne.s32 s20, $0x0;
	s20 =	sadd.s32 $0x1, s20  }
0xda: {  	s21 =	simm.s32 @!p0 $0x0;
	_ =	strace @!p2 $0x8000004F;
	p0 =	sne.s32 s20, $0x10  }
.Ltmp8:
0xdb: {  	_ =	swait.ge @!p2 [sflag:s0], $0x2000;
	(pc) =	sbr.rel @p0 .LBB2_2-.Ltmp8, $4  }
0xdc: {  	[sflag:s0] =	ssyncset.done @!p2 $0x0  }
0xdd: {  	[sflag:s0] =	ssyncadd.s32 @!p2 $0xFFFFE000;
	s0 =	simm.s32 $0x1  }
0xde: {  	s15 =	sadd.s32 s2, s15;
	s18 =	sadd.s32 s2, s18;
	s0 =	simm.s32 @!p1 $0x0  }
0xdf: {  	s16 =	sadd.s32 s21, s16;
	_ =	strace @!p2 $0x9000004F;
	s14 =	sadd.s32 s0, s14  }
0xe0: {  	s12 =	sadd.s32 $0x1, s12  }
0xe1: {  	p0 =	sne.s32 s12, s9  }
.Ltmp9:
0xe2: {  	_ =	strace $0x80000050;
	(pc) =	sbr.rel @p0 .LBB2_1-.Ltmp9, $4  }
0xe3: {  	_ =	swait.ge [sflag:s11], $0x2000  }
0xe4: {  	[sflag:s11] =	ssyncset.done $0x0  }
0xe5: {  	[sflag:s11] =	ssyncadd.s32 $0xFFFFE000  }
0xe6: {  	_ =	strace $0x90000050  }
0xe7: {  	_ =	sfence.sel $0x180000  }
0xe8: {  	[bflag:$0x0] =	sbarrier.arrive $0xFFFF  }
0xe9: {  	_ =	strace $0x90000047  }
0xea: {  	s0 =	stileid.u32;
	[bflag:$0x2] =	sbarrier.arrive $0xFFFF  }
0xeb: {  	p0 =	sne.s32 s0, $0x0;
	s0 =	rddreg [dreg:$0x1]  }
0xec: {  	s0 =	sadd.s32 @!p0 $0x100000, s0  }
0xed: {  	[sflag:s0] =	ssyncadd.tile.s32 @!p0 $0x1;
	_ =	shalt  }
.Lfunc_end2:
_tile_overlayer_lowered:
.L_overlay_start_2:
0xee: {  	(tag) =	ssettag $0x2  }
0xef: {  	s0 =	rddreg [dreg:$0x0];
	s2 =	stileid.u32  }
0xf0: {  	s1 =	rddreg [dreg:$0x1];
	p0 =	sne.s32 s2, $0x0  }
0xf1: {  	s3 =	rddreg [dreg:$0x2];
	[bflag:$0x3] =	sbarrier.arrive $0xFFFF;
	s2 =	simm.s32 @!p0 $0x1C01  }
0xf2: {  	[timem:s3], [sflag:s2] =	dma.local @!p0 [hbm:s0], s1  }
0xf3: {  	s0 =	simm.s32 @!p0 $0x1  }
0xf4: {  	_ =	swait.ge @!p0 [sflag:s0], s1  }
0xf5: {  	s1 =	ssub.s32 @!p0 $0x0, s1;
	[sflag:s0] =	ssyncset.done @!p0 $0x0  }
0xf6: {  	[sflag:s0] =	ssyncadd.s32 @!p0 s1  }
0xf7: {  	[bflag:$0x3] =	sbarrier.arrive $0xFFFF  }
0xf8: {  	_ =	shalt  }

</sc_bundles>
